<compile_context>
chip_gen: v7x
topology: tpu7x:2x2x1
jax: 0.10.2.dev20260603
libtpu: 0.0.44.dev20260713+nightly
codegen_flags: <defaults>
</compile_context>

<pallas_src>
import functools

import jax
import jax.numpy as jnp
from jax import lax
from jax.experimental import pallas as pl
from jax.experimental.pallas import tpu as pltpu
from jax.experimental.pallas import tpu_sc as plsc

_NC = 2
_NS = 16
_NW = _NC * _NS
_CH = 125


def _matmul1(x, w):
    def body(x_ref, w_ref, o_ref):
        o_ref[...] = jnp.dot(x_ref[...], w_ref[...],
                             preferred_element_type=jnp.float32)
    return pl.pallas_call(
        body,
        out_shape=jax.ShapeDtypeStruct((x.shape[0], w.shape[1]), jnp.float32),
    )(x, w)


def _sc_aggregate(h, src2, dst2, zeros):
    n, f = zeros.shape
    n_chunks = src2.shape[0]
    chunks_per_w = n_chunks // _NW
    rows_per_tile = n // _NS

    mesh = plsc.VectorSubcoreMesh(core_axis_name="c", subcore_axis_name="s")

    @functools.partial(
        pl.kernel,
        mesh=mesh,
        out_type=jax.ShapeDtypeStruct((_NC, n, f), jnp.float32),
        scratch_types=[
            pltpu.VMEM((chunks_per_w, _CH), jnp.int32),
            pltpu.VMEM((chunks_per_w, _CH), jnp.int32),
            pltpu.VMEM((_CH, f), jnp.float32),
            pltpu.VMEM((_CH, f), jnp.float32),
            pltpu.VMEM_SHARED((n, f), jnp.float32),
            pltpu.SemaphoreType.DMA,
            pltpu.SemaphoreType.DMA,
        ],
        compiler_params=pltpu.CompilerParams(use_tc_tiling_on_sc=False),
    )
    def agg(h_hbm, src_hbm, dst_hbm, z_hbm, out_hbm,
            sidx_v, didx_v, rows0_v, rows1_v, acc_sh, sem0, sem1):
        cid = lax.axis_index("c")
        sid = lax.axis_index("s")
        wid = sid * _NC + cid

        pltpu.sync_copy(z_hbm.at[pl.ds(sid * rows_per_tile, rows_per_tile)],
                        acc_sh.at[pl.ds(sid * rows_per_tile, rows_per_tile)])
        pltpu.sync_copy(src_hbm.at[pl.ds(wid * chunks_per_w, chunks_per_w)],
                        sidx_v)
        pltpu.sync_copy(dst_hbm.at[pl.ds(wid * chunks_per_w, chunks_per_w)],
                        didx_v)
        plsc.subcore_barrier()

        pairs = chunks_per_w // 2

        def start(j, rows):
            sem = sem0 if rows is rows0_v else sem1
            pltpu.async_copy(h_hbm.at[sidx_v.at[j]], rows, sem)

        def wait_add(j, rows):
            sem = sem0 if rows is rows0_v else sem1
            pltpu.make_async_copy(h_hbm.at[sidx_v.at[j]], rows, sem).wait()
            pltpu.sync_copy(rows, acc_sh.at[didx_v.at[j]], add=True)

        start(0, rows0_v)

        def step(j, carry):
            a = 2 * j
            start(a + 1, rows1_v)
            wait_add(a, rows0_v)
            start(a + 2, rows0_v)
            wait_add(a + 1, rows1_v)
            return carry

        lax.fori_loop(0, pairs - 1, step, 0)
        last = 2 * (pairs - 1)
        start(last + 1, rows1_v)
        wait_add(last, rows0_v)
        wait_add(last + 1, rows1_v)
        plsc.subcore_barrier()

        pltpu.sync_copy(acc_sh.at[pl.ds(sid * rows_per_tile, rows_per_tile)],
                        out_hbm.at[cid, pl.ds(sid * rows_per_tile,
                                              rows_per_tile)])

    return agg(h, src2, dst2, zeros)


def _layer2_matmul(partial, w):
    def body(p_ref, w_ref, o_ref):
        hidden = jnp.maximum(p_ref[0] + p_ref[1], 0.0)
        o_ref[...] = jnp.dot(hidden, w_ref[...],
                             preferred_element_type=jnp.float32)
    n_pad = partial.shape[1]
    return pl.pallas_call(
        body,
        out_shape=jax.ShapeDtypeStruct((n_pad, w.shape[1]), jnp.float32),
    )(partial, w)


def _decoder(partial, n):
    n_pad, f = partial.shape[1], partial.shape[2]
    blk = 400
    grid = n // blk

    def body(p_ref, o_ref, zt_s):
        i = pl.program_id(0)

        @pl.when(i == 0)
        def _():
            zt_s[...] = (p_ref[0, :n, :] + p_ref[1, :n, :]).T

        zb = (p_ref[0, pl.ds(i * blk, blk), :] +
              p_ref[1, pl.ds(i * blk, blk), :])
        o_ref[...] = jnp.dot(zb, zt_s[...],
                             preferred_element_type=jnp.float32)

    out2 = pl.pallas_call(
        body,
        grid=(grid,),
        in_specs=[pl.BlockSpec((2, n_pad, f), lambda i: (0, 0, 0))],
        out_specs=pl.BlockSpec((blk, n), lambda i: (i, 0)),
        out_shape=jax.ShapeDtypeStruct((n, n), jnp.float32),
        scratch_shapes=[pltpu.VMEM((f, n), jnp.float32)],
    )(partial)
    return out2.reshape(-1)


def kernel(x, edge_index, W1, W2):
    n = x.shape[0]
    e = edge_index.shape[1]
    n_pad = ((n // _NS + 7) // 8 * 8) * _NS
    src2 = edge_index[0].astype(jnp.int32).reshape(e // _CH, _CH)
    dst2 = edge_index[1].astype(jnp.int32).reshape(e // _CH, _CH)
    zeros1 = jnp.zeros((n_pad, W1.shape[1]), jnp.float32)
    zeros2 = jnp.zeros((n_pad, W2.shape[1]), jnp.float32)

    h = _matmul1(x, W1)
    p1 = _sc_aggregate(h, src2, dst2, zeros1)
    h2 = _layer2_matmul(p1, W2)
    p2 = _sc_aggregate(h2, src2, dst2, zeros2)
    return _decoder(p2, n)

# --- scband reference (transcript-rebuilt; emitter-appended) ---
"""Pipeline reference for scband-gcnmodel-ae-86732569575603 (READ-ONLY COPY).

The authoritative reference and input builder live on the scoring server;
editing this copy changes nothing except your own understanding.
"""

import jax, jax.numpy as jnp
import numpy as np

N = 10000
E = 320000
D_IN = 128
H1 = 32
H2 = 16

def setup_inputs(seed: int = 0) -> dict:
    key = jax.random.key(seed)
    k1, k2, k3, k4 = jax.random.split(key, 4)
    x = jax.random.normal(k1, (N, D_IN), dtype=jnp.float32)
    edge_index = jax.random.randint(k2, (2, E), 0, N, dtype=jnp.int64)
    W1 = jax.random.normal(k3, (D_IN, H1), dtype=jnp.float32) * (1.0 / np.sqrt(D_IN))
    W2 = jax.random.normal(k4, (H1, H2), dtype=jnp.float32) * (1.0 / np.sqrt(H1))
    return {"x": x, "edge_index": edge_index, "W1": W1, "W2": W2}

def reference(x, edge_index, W1, W2):
    # GCNModelAE forward (inference, dropout=0):
    #   hidden1 = relu(A @ (x @ W1))   (GraphConvolutionSparse)
    #   z_mean  = A @ (hidden1 @ W2)   (GraphConvolution, identity act)
    #   reconstructions = flatten(z_mean @ z_mean.T)  (InnerProductDecoder)
    src = edge_index[0]
    dst = edge_index[1]
    # Layer 1: sparse adj matmul as gather + scatter-add (segment_sum)
    h = x @ W1
    msg1 = jnp.take(h, src, axis=0)
    agg1 = jax.ops.segment_sum(msg1, dst, num_segments=N)
    hidden1 = jax.nn.relu(agg1)
    # Layer 2
    h2 = hidden1 @ W2
    msg2 = jnp.take(h2, src, axis=0)
    z_mean = jax.ops.segment_sum(msg2, dst, num_segments=N)
    # Inner product decoder
    logits = z_mean @ z_mean.T
    reconstructions = jnp.reshape(logits, (-1,))
    return reconstructions

if __name__ == "__main__":
    import jax
    _d = setup_inputs()
    print(jax.jit(kernel)(*tuple(_d.values())))

</pallas_src>

<mosaic_0001>
#map = affine_map<(d0, d1) -> (0, 0)>
#map1 = affine_map<(d0, d1) -> (0, 0, 0)>
module attributes {stable_mosaic.version = 14 : i64} {
  func.func @agg(%arg0: i32, %arg1: i32, %arg2: memref<10112x16xf32, #tpu.memory_space<hbm>>, %arg3: memref<2560x125xi32, #tpu.memory_space<hbm>>, %arg4: memref<2560x125xi32, #tpu.memory_space<hbm>>, %arg5: memref<10112x16xf32, #tpu.memory_space<hbm>>, %arg6: memref<2x10112x16xf32, #tpu.memory_space<hbm>>, %arg7: memref<80x125xi32, #tpu.memory_space<vmem>>, %arg8: memref<80x125xi32, #tpu.memory_space<vmem>>, %arg9: memref<125x16xf32, #tpu.memory_space<vmem>>, %arg10: memref<125x16xf32, #tpu.memory_space<vmem>>, %arg11: memref<10112x16xf32, #tpu.memory_space<vmem_shared>>, %arg12: memref<!tpu.dma_semaphore, #tpu.memory_space<semaphore_mem>>, %arg13: memref<!tpu.dma_semaphore, #tpu.memory_space<semaphore_mem>>) attributes {dimension_semantics = [#tpu.dimension_semantics<core_parallel>, #tpu.dimension_semantics<subcore_parallel>], iteration_bounds = array<i64: 2, 16>, scalar_prefetch = 0 : i64, scratch_operands = 7 : i64, tpu.core_type = #tpu.core_type<sc_vector_subcore>, window_params = [{transform_indices = #map}, {transform_indices = #map}, {transform_indices = #map}, {transform_indices = #map}, {transform_indices = #map1}]} {
    %mul3A = arith.constant 2 : i32
    %mul3A_0 = arith.muli %arg1, %mul3A : i32
    %add3A = arith.addi %mul3A_0, %arg0 : i32
    %mul3A_1 = arith.constant 632 : i32
    %mul3A_2 = arith.muli %arg1, %mul3A_1 : i32
    %mul3A_3 = arith.constant 632 : i32
    %mul3A_4 = arith.muli %arg1, %mul3A_3 : i32
    "tpu.region"() ({
      %run_scoped3A_46 = tpu.sem_alloc : memref<!tpu.dma_semaphore, #tpu.memory_space<semaphore_mem>>
      %dma_start3A_47 = arith.constant 0 : i32
      %dma_start3A_48 = tpu.memref_slice %arg11[%mul3A_4, %dma_start3A_47] : memref<10112x16xf32, #tpu.memory_space<vmem_shared>> -> memref<632x16xf32, #tpu.memory_space<vmem_shared>>
      %dma_start3A_49 = arith.constant 0 : i32
      %dma_start3A_50 = tpu.memref_slice %arg5[%mul3A_2, %dma_start3A_49] : memref<10112x16xf32, #tpu.memory_space<hbm>> -> memref<632x16xf32, #tpu.memory_space<hbm>>
      tpu.enqueue_dma source(%dma_start3A_50 : memref<632x16xf32, #tpu.memory_space<hbm>>) target(%dma_start3A_48 : memref<632x16xf32, #tpu.memory_space<vmem_shared>>) target_semaphore(%run_scoped3A_46 : memref<!tpu.dma_semaphore, #tpu.memory_space<semaphore_mem>>)
      %dma_wait3A_51 = arith.constant 0 : i32
      %dma_wait3A_52 = tpu.memref_slice %arg11[%mul3A_4, %dma_wait3A_51] : memref<10112x16xf32, #tpu.memory_space<vmem_shared>> -> memref<632x16xf32, #tpu.memory_space<vmem_shared>>
      %dma_wait3A_53 = arith.constant 0 : i32
      %dma_wait3A_54 = tpu.memref_slice %arg5[%mul3A_2, %dma_wait3A_53] : memref<10112x16xf32, #tpu.memory_space<hbm>> -> memref<632x16xf32, #tpu.memory_space<hbm>>
      tpu.wait_dma2 semaphore(%run_scoped3A_46 : memref<!tpu.dma_semaphore, #tpu.memory_space<semaphore_mem>>) src(%dma_wait3A_54 : memref<632x16xf32, #tpu.memory_space<hbm>>) dst(%dma_wait3A_52 : memref<632x16xf32, #tpu.memory_space<vmem_shared>>)
      tpu.yield
    }) : () -> ()
    %mul3A_5 = arith.constant 80 : i32
    %mul3A_6 = arith.muli %add3A, %mul3A_5 : i32
    "tpu.region"() ({
      %run_scoped3A_46 = tpu.sem_alloc : memref<!tpu.dma_semaphore, #tpu.memory_space<semaphore_mem>>
      %dma_start3A_47 = arith.constant 0 : i32
      %dma_start3A_48 = tpu.memref_slice %arg3[%mul3A_6, %dma_start3A_47] : memref<2560x125xi32, #tpu.memory_space<hbm>> -> memref<80x125xi32, #tpu.memory_space<hbm>>
      %dma_start3A_49 = arith.constant 0 : i32
      %dma_start3A_50 = tpu.memref_slice %arg3[%mul3A_6, %dma_start3A_49] : memref<2560x125xi32, #tpu.memory_space<hbm>> -> memref<80x125xi32, #tpu.memory_space<hbm>>
      tpu.enqueue_dma source(%dma_start3A_50 : memref<80x125xi32, #tpu.memory_space<hbm>>) target(%arg7 : memref<80x125xi32, #tpu.memory_space<vmem>>) target_semaphore(%run_scoped3A_46 : memref<!tpu.dma_semaphore, #tpu.memory_space<semaphore_mem>>)
      %dma_wait3A_51 = arith.constant 0 : i32
      %dma_wait3A_52 = tpu.memref_slice %arg3[%mul3A_6, %dma_wait3A_51] : memref<2560x125xi32, #tpu.memory_space<hbm>> -> memref<80x125xi32, #tpu.memory_space<hbm>>
      %dma_wait3A_53 = arith.constant 0 : i32
      %dma_wait3A_54 = tpu.memref_slice %arg3[%mul3A_6, %dma_wait3A_53] : memref<2560x125xi32, #tpu.memory_space<hbm>> -> memref<80x125xi32, #tpu.memory_space<hbm>>
      tpu.wait_dma2 semaphore(%run_scoped3A_46 : memref<!tpu.dma_semaphore, #tpu.memory_space<semaphore_mem>>) src(%dma_wait3A_54 : memref<80x125xi32, #tpu.memory_space<hbm>>) dst(%arg7 : memref<80x125xi32, #tpu.memory_space<vmem>>)
      tpu.yield
    }) : () -> ()
    %mul3A_7 = arith.constant 80 : i32
    %mul3A_8 = arith.muli %add3A, %mul3A_7 : i32
    "tpu.region"() ({
      %run_scoped3A_46 = tpu.sem_alloc : memref<!tpu.dma_semaphore, #tpu.memory_space<semaphore_mem>>
      %dma_start3A_47 = arith.constant 0 : i32
      %dma_start3A_48 = tpu.memref_slice %arg4[%mul3A_8, %dma_start3A_47] : memref<2560x125xi32, #tpu.memory_space<hbm>> -> memref<80x125xi32, #tpu.memory_space<hbm>>
      %dma_start3A_49 = arith.constant 0 : i32
      %dma_start3A_50 = tpu.memref_slice %arg4[%mul3A_8, %dma_start3A_49] : memref<2560x125xi32, #tpu.memory_space<hbm>> -> memref<80x125xi32, #tpu.memory_space<hbm>>
      tpu.enqueue_dma source(%dma_start3A_50 : memref<80x125xi32, #tpu.memory_space<hbm>>) target(%arg8 : memref<80x125xi32, #tpu.memory_space<vmem>>) target_semaphore(%run_scoped3A_46 : memref<!tpu.dma_semaphore, #tpu.memory_space<semaphore_mem>>)
      %dma_wait3A_51 = arith.constant 0 : i32
      %dma_wait3A_52 = tpu.memref_slice %arg4[%mul3A_8, %dma_wait3A_51] : memref<2560x125xi32, #tpu.memory_space<hbm>> -> memref<80x125xi32, #tpu.memory_space<hbm>>
      %dma_wait3A_53 = arith.constant 0 : i32
      %dma_wait3A_54 = tpu.memref_slice %arg4[%mul3A_8, %dma_wait3A_53] : memref<2560x125xi32, #tpu.memory_space<hbm>> -> memref<80x125xi32, #tpu.memory_space<hbm>>
      tpu.wait_dma2 semaphore(%run_scoped3A_46 : memref<!tpu.dma_semaphore, #tpu.memory_space<semaphore_mem>>) src(%dma_wait3A_54 : memref<80x125xi32, #tpu.memory_space<hbm>>) dst(%arg8 : memref<80x125xi32, #tpu.memory_space<vmem>>)
      tpu.yield
    }) : () -> ()
    %barrier3A = arith.constant 0 : index
    tpu.barrier barrier_id(%barrier3A)
    %dma_start3A = arith.constant 0 : i32
    %dma_start3A_9 = arith.constant 0 : i32
    %dma_start3A_10 = tpu.memref_slice %arg7[%dma_start3A, %dma_start3A_9] : memref<80x125xi32, #tpu.memory_space<vmem>> -> memref<1x125xi32, #tpu.memory_space<vmem>>
    %dma_start3A_11 = tpu.memref_squeeze %dma_start3A_10 : memref<1x125xi32, #tpu.memory_space<vmem>> -> memref<125xi32, #tpu.memory_space<vmem>>
    %dma_start3A_12 = arith.constant 0 : i32
    %dma_start3A_13 = arith.constant 0 : i32
    %dma_start3A_14 = tpu.memref_slice %arg2[%dma_start3A_12, %dma_start3A_13] : memref<10112x16xf32, #tpu.memory_space<hbm>> -> memref<10112x16xf32, #tpu.memory_space<hbm>>
    tpu.enqueue_indirect_dma source(%dma_start3A_14 : memref<10112x16xf32, #tpu.memory_space<hbm>>) target(%arg9 : memref<125x16xf32, #tpu.memory_space<vmem>>) offsets(%dma_start3A_11 : memref<125xi32, #tpu.memory_space<vmem>>) semaphore(%arg12 : memref<!tpu.dma_semaphore, #tpu.memory_space<semaphore_mem>>)
    %scan3A = arith.constant 0 : i32
    %scan3A_15 = arith.constant 0 : i32
    %scan3A_16 = arith.constant 39 : i32
    %scan3A_17 = arith.addi %scan3A_15, %scan3A_16 : i32
    %scan3A_18 = arith.constant 1 : i32
    scf.for %scan3A_46 = %scan3A_15 to %scan3A_17 step %scan3A_18  : i32 {
      %mul3A_47 = arith.constant 2 : i32
      %mul3A_48 = arith.muli %mul3A_47, %scan3A_46 : i32
      %add3A_49 = arith.constant 1 : i32
      %add3A_50 = arith.addi %mul3A_48, %add3A_49 : i32
      %dma_start3A_51 = arith.constant 0 : i32
      %dma_start3A_52 = tpu.memref_slice %arg7[%add3A_50, %dma_start3A_51] : memref<80x125xi32, #tpu.memory_space<vmem>> -> memref<1x125xi32, #tpu.memory_space<vmem>>
      %dma_start3A_53 = tpu.memref_squeeze %dma_start3A_52 : memref<1x125xi32, #tpu.memory_space<vmem>> -> memref<125xi32, #tpu.memory_space<vmem>>
      %dma_start3A_54 = arith.constant 0 : i32
      %dma_start3A_55 = arith.constant 0 : i32
      %dma_start3A_56 = tpu.memref_slice %arg2[%dma_start3A_54, %dma_start3A_55] : memref<10112x16xf32, #tpu.memory_space<hbm>> -> memref<10112x16xf32, #tpu.memory_space<hbm>>
      tpu.enqueue_indirect_dma source(%dma_start3A_56 : memref<10112x16xf32, #tpu.memory_space<hbm>>) target(%arg10 : memref<125x16xf32, #tpu.memory_space<vmem>>) offsets(%dma_start3A_53 : memref<125xi32, #tpu.memory_space<vmem>>) semaphore(%arg13 : memref<!tpu.dma_semaphore, #tpu.memory_space<semaphore_mem>>)
      %dma_wait3A_57 = arith.constant 0 : i32
      %dma_wait3A_58 = tpu.memref_slice %arg7[%mul3A_48, %dma_wait3A_57] : memref<80x125xi32, #tpu.memory_space<vmem>> -> memref<1x125xi32, #tpu.memory_space<vmem>>
      %dma_wait3A_59 = tpu.memref_squeeze %dma_wait3A_58 : memref<1x125xi32, #tpu.memory_space<vmem>> -> memref<125xi32, #tpu.memory_space<vmem>>
      %dma_wait3A_60 = arith.constant 0 : i32
      %dma_wait3A_61 = arith.constant 0 : i32
      %dma_wait3A_62 = tpu.memref_slice %arg2[%dma_wait3A_60, %dma_wait3A_61] : memref<10112x16xf32, #tpu.memory_space<hbm>> -> memref<10112x16xf32, #tpu.memory_space<hbm>>
      tpu.wait_indirect_dma semaphore(%arg12 : memref<!tpu.dma_semaphore, #tpu.memory_space<semaphore_mem>>) src(%dma_wait3A_62 : memref<10112x16xf32, #tpu.memory_space<hbm>>) dst(%arg9 : memref<125x16xf32, #tpu.memory_space<vmem>>)
      "tpu.region"() ({
        %run_scoped3A_79 = tpu.sem_alloc : memref<!tpu.dma_semaphore, #tpu.memory_space<semaphore_mem>>
        %dma_start3A_80 = arith.constant 0 : i32
        %dma_start3A_81 = tpu.memref_slice %arg8[%mul3A_48, %dma_start3A_80] : memref<80x125xi32, #tpu.memory_space<vmem>> -> memref<1x125xi32, #tpu.memory_space<vmem>>
        %dma_start3A_82 = tpu.memref_squeeze %dma_start3A_81 : memref<1x125xi32, #tpu.memory_space<vmem>> -> memref<125xi32, #tpu.memory_space<vmem>>
        %dma_start3A_83 = arith.constant 0 : i32
        %dma_start3A_84 = arith.constant 0 : i32
        %dma_start3A_85 = tpu.memref_slice %arg11[%dma_start3A_83, %dma_start3A_84] : memref<10112x16xf32, #tpu.memory_space<vmem_shared>> -> memref<10112x16xf32, #tpu.memory_space<vmem_shared>>
        tpu.enqueue_indirect_dma source(%arg9 : memref<125x16xf32, #tpu.memory_space<vmem>>) target(%dma_start3A_85 : memref<10112x16xf32, #tpu.memory_space<vmem_shared>>) offsets(%dma_start3A_82 : memref<125xi32, #tpu.memory_space<vmem>>) semaphore(%run_scoped3A_79 : memref<!tpu.dma_semaphore, #tpu.memory_space<semaphore_mem>>) {add = true}
        %dma_wait3A_86 = arith.constant 0 : i32
        %dma_wait3A_87 = tpu.memref_slice %arg8[%mul3A_48, %dma_wait3A_86] : memref<80x125xi32, #tpu.memory_space<vmem>> -> memref<1x125xi32, #tpu.memory_space<vmem>>
        %dma_wait3A_88 = tpu.memref_squeeze %dma_wait3A_87 : memref<1x125xi32, #tpu.memory_space<vmem>> -> memref<125xi32, #tpu.memory_space<vmem>>
        %dma_wait3A_89 = arith.constant 0 : i32
        %dma_wait3A_90 = arith.constant 0 : i32
        %dma_wait3A_91 = tpu.memref_slice %arg11[%dma_wait3A_89, %dma_wait3A_90] : memref<10112x16xf32, #tpu.memory_space<vmem_shared>> -> memref<10112x16xf32, #tpu.memory_space<vmem_shared>>
        tpu.wait_indirect_dma semaphore(%run_scoped3A_79 : memref<!tpu.dma_semaphore, #tpu.memory_space<semaphore_mem>>) src(%arg9 : memref<125x16xf32, #tpu.memory_space<vmem>>) dst(%dma_wait3A_91 : memref<10112x16xf32, #tpu.memory_space<vmem_shared>>)
        tpu.yield
      }) : () -> ()
      %add3A_63 = arith.constant 2 : i32
      %add3A_64 = arith.addi %mul3A_48, %add3A_63 : i32
      %dma_start3A_65 = arith.constant 0 : i32
      %dma_start3A_66 = tpu.memref_slice %arg7[%add3A_64, %dma_start3A_65] : memref<80x125xi32, #tpu.memory_space<vmem>> -> memref<1x125xi32, #tpu.memory_space<vmem>>
      %dma_start3A_67 = tpu.memref_squeeze %dma_start3A_66 : memref<1x125xi32, #tpu.memory_space<vmem>> -> memref<125xi32, #tpu.memory_space<vmem>>
      %dma_start3A_68 = arith.constant 0 : i32
      %dma_start3A_69 = arith.constant 0 : i32
      %dma_start3A_70 = tpu.memref_slice %arg2[%dma_start3A_68, %dma_start3A_69] : memref<10112x16xf32, #tpu.memory_space<hbm>> -> memref<10112x16xf32, #tpu.memory_space<hbm>>
      tpu.enqueue_indirect_dma source(%dma_start3A_70 : memref<10112x16xf32, #tpu.memory_space<hbm>>) target(%arg9 : memref<125x16xf32, #tpu.memory_space<vmem>>) offsets(%dma_start3A_67 : memref<125xi32, #tpu.memory_space<vmem>>) semaphore(%arg12 : memref<!tpu.dma_semaphore, #tpu.memory_space<semaphore_mem>>)
      %add3A_71 = arith.constant 1 : i32
      %add3A_72 = arith.addi %mul3A_48, %add3A_71 : i32
      %dma_wait3A_73 = arith.constant 0 : i32
      %dma_wait3A_74 = tpu.memref_slice %arg7[%add3A_72, %dma_wait3A_73] : memref<80x125xi32, #tpu.memory_space<vmem>> -> memref<1x125xi32, #tpu.memory_space<vmem>>
      %dma_wait3A_75 = tpu.memref_squeeze %dma_wait3A_74 : memref<1x125xi32, #tpu.memory_space<vmem>> -> memref<125xi32, #tpu.memory_space<vmem>>
      %dma_wait3A_76 = arith.constant 0 : i32
      %dma_wait3A_77 = arith.constant 0 : i32
      %dma_wait3A_78 = tpu.memref_slice %arg2[%dma_wait3A_76, %dma_wait3A_77] : memref<10112x16xf32, #tpu.memory_space<hbm>> -> memref<10112x16xf32, #tpu.memory_space<hbm>>
      tpu.wait_indirect_dma semaphore(%arg13 : memref<!tpu.dma_semaphore, #tpu.memory_space<semaphore_mem>>) src(%dma_wait3A_78 : memref<10112x16xf32, #tpu.memory_space<hbm>>) dst(%arg10 : memref<125x16xf32, #tpu.memory_space<vmem>>)
      "tpu.region"() ({
        %run_scoped3A_79 = tpu.sem_alloc : memref<!tpu.dma_semaphore, #tpu.memory_space<semaphore_mem>>
        %dma_start3A_80 = arith.constant 0 : i32
        %dma_start3A_81 = tpu.memref_slice %arg8[%add3A_72, %dma_start3A_80] : memref<80x125xi32, #tpu.memory_space<vmem>> -> memref<1x125xi32, #tpu.memory_space<vmem>>
        %dma_start3A_82 = tpu.memref_squeeze %dma_start3A_81 : memref<1x125xi32, #tpu.memory_space<vmem>> -> memref<125xi32, #tpu.memory_space<vmem>>
        %dma_start3A_83 = arith.constant 0 : i32
        %dma_start3A_84 = arith.constant 0 : i32
        %dma_start3A_85 = tpu.memref_slice %arg11[%dma_start3A_83, %dma_start3A_84] : memref<10112x16xf32, #tpu.memory_space<vmem_shared>> -> memref<10112x16xf32, #tpu.memory_space<vmem_shared>>
        tpu.enqueue_indirect_dma source(%arg10 : memref<125x16xf32, #tpu.memory_space<vmem>>) target(%dma_start3A_85 : memref<10112x16xf32, #tpu.memory_space<vmem_shared>>) offsets(%dma_start3A_82 : memref<125xi32, #tpu.memory_space<vmem>>) semaphore(%run_scoped3A_79 : memref<!tpu.dma_semaphore, #tpu.memory_space<semaphore_mem>>) {add = true}
        %dma_wait3A_86 = arith.constant 0 : i32
        %dma_wait3A_87 = tpu.memref_slice %arg8[%add3A_72, %dma_wait3A_86] : memref<80x125xi32, #tpu.memory_space<vmem>> -> memref<1x125xi32, #tpu.memory_space<vmem>>
        %dma_wait3A_88 = tpu.memref_squeeze %dma_wait3A_87 : memref<1x125xi32, #tpu.memory_space<vmem>> -> memref<125xi32, #tpu.memory_space<vmem>>
        %dma_wait3A_89 = arith.constant 0 : i32
        %dma_wait3A_90 = arith.constant 0 : i32
        %dma_wait3A_91 = tpu.memref_slice %arg11[%dma_wait3A_89, %dma_wait3A_90] : memref<10112x16xf32, #tpu.memory_space<vmem_shared>> -> memref<10112x16xf32, #tpu.memory_space<vmem_shared>>
        tpu.wait_indirect_dma semaphore(%run_scoped3A_79 : memref<!tpu.dma_semaphore, #tpu.memory_space<semaphore_mem>>) src(%arg10 : memref<125x16xf32, #tpu.memory_space<vmem>>) dst(%dma_wait3A_91 : memref<10112x16xf32, #tpu.memory_space<vmem_shared>>)
        tpu.yield
      }) : () -> ()
    }
    %scan3A_19 = arith.constant 39 : i32
    %dma_start3A_20 = arith.constant 79 : i32
    %dma_start3A_21 = arith.constant 0 : i32
    %dma_start3A_22 = tpu.memref_slice %arg7[%dma_start3A_20, %dma_start3A_21] : memref<80x125xi32, #tpu.memory_space<vmem>> -> memref<1x125xi32, #tpu.memory_space<vmem>>
    %dma_start3A_23 = tpu.memref_squeeze %dma_start3A_22 : memref<1x125xi32, #tpu.memory_space<vmem>> -> memref<125xi32, #tpu.memory_space<vmem>>
    %dma_start3A_24 = arith.constant 0 : i32
    %dma_start3A_25 = arith.constant 0 : i32
    %dma_start3A_26 = tpu.memref_slice %arg2[%dma_start3A_24, %dma_start3A_25] : memref<10112x16xf32, #tpu.memory_space<hbm>> -> memref<10112x16xf32, #tpu.memory_space<hbm>>
    tpu.enqueue_indirect_dma source(%dma_start3A_26 : memref<10112x16xf32, #tpu.memory_space<hbm>>) target(%arg10 : memref<125x16xf32, #tpu.memory_space<vmem>>) offsets(%dma_start3A_23 : memref<125xi32, #tpu.memory_space<vmem>>) semaphore(%arg13 : memref<!tpu.dma_semaphore, #tpu.memory_space<semaphore_mem>>)
    %dma_wait3A = arith.constant 78 : i32
    %dma_wait3A_27 = arith.constant 0 : i32
    %dma_wait3A_28 = tpu.memref_slice %arg7[%dma_wait3A, %dma_wait3A_27] : memref<80x125xi32, #tpu.memory_space<vmem>> -> memref<1x125xi32, #tpu.memory_space<vmem>>
    %dma_wait3A_29 = tpu.memref_squeeze %dma_wait3A_28 : memref<1x125xi32, #tpu.memory_space<vmem>> -> memref<125xi32, #tpu.memory_space<vmem>>
    %dma_wait3A_30 = arith.constant 0 : i32
    %dma_wait3A_31 = arith.constant 0 : i32
    %dma_wait3A_32 = tpu.memref_slice %arg2[%dma_wait3A_30, %dma_wait3A_31] : memref<10112x16xf32, #tpu.memory_space<hbm>> -> memref<10112x16xf32, #tpu.memory_space<hbm>>
    tpu.wait_indirect_dma semaphore(%arg12 : memref<!tpu.dma_semaphore, #tpu.memory_space<semaphore_mem>>) src(%dma_wait3A_32 : memref<10112x16xf32, #tpu.memory_space<hbm>>) dst(%arg9 : memref<125x16xf32, #tpu.memory_space<vmem>>)
    %run_scoped3A = arith.constant 78 : i32
    "tpu.region"() ({
      %run_scoped3A_46 = tpu.sem_alloc : memref<!tpu.dma_semaphore, #tpu.memory_space<semaphore_mem>>
      %dma_start3A_47 = arith.constant 0 : i32
      %dma_start3A_48 = tpu.memref_slice %arg8[%run_scoped3A, %dma_start3A_47] : memref<80x125xi32, #tpu.memory_space<vmem>> -> memref<1x125xi32, #tpu.memory_space<vmem>>
      %dma_start3A_49 = tpu.memref_squeeze %dma_start3A_48 : memref<1x125xi32, #tpu.memory_space<vmem>> -> memref<125xi32, #tpu.memory_space<vmem>>
      %dma_start3A_50 = arith.constant 0 : i32
      %dma_start3A_51 = arith.constant 0 : i32
      %dma_start3A_52 = tpu.memref_slice %arg11[%dma_start3A_50, %dma_start3A_51] : memref<10112x16xf32, #tpu.memory_space<vmem_shared>> -> memref<10112x16xf32, #tpu.memory_space<vmem_shared>>
      tpu.enqueue_indirect_dma source(%arg9 : memref<125x16xf32, #tpu.memory_space<vmem>>) target(%dma_start3A_52 : memref<10112x16xf32, #tpu.memory_space<vmem_shared>>) offsets(%dma_start3A_49 : memref<125xi32, #tpu.memory_space<vmem>>) semaphore(%run_scoped3A_46 : memref<!tpu.dma_semaphore, #tpu.memory_space<semaphore_mem>>) {add = true}
      %dma_wait3A_53 = arith.constant 0 : i32
      %dma_wait3A_54 = tpu.memref_slice %arg8[%run_scoped3A, %dma_wait3A_53] : memref<80x125xi32, #tpu.memory_space<vmem>> -> memref<1x125xi32, #tpu.memory_space<vmem>>
      %dma_wait3A_55 = tpu.memref_squeeze %dma_wait3A_54 : memref<1x125xi32, #tpu.memory_space<vmem>> -> memref<125xi32, #tpu.memory_space<vmem>>
      %dma_wait3A_56 = arith.constant 0 : i32
      %dma_wait3A_57 = arith.constant 0 : i32
      %dma_wait3A_58 = tpu.memref_slice %arg11[%dma_wait3A_56, %dma_wait3A_57] : memref<10112x16xf32, #tpu.memory_space<vmem_shared>> -> memref<10112x16xf32, #tpu.memory_space<vmem_shared>>
      tpu.wait_indirect_dma semaphore(%run_scoped3A_46 : memref<!tpu.dma_semaphore, #tpu.memory_space<semaphore_mem>>) src(%arg9 : memref<125x16xf32, #tpu.memory_space<vmem>>) dst(%dma_wait3A_58 : memref<10112x16xf32, #tpu.memory_space<vmem_shared>>)
      tpu.yield
    }) : () -> ()
    %dma_wait3A_33 = arith.constant 79 : i32
    %dma_wait3A_34 = arith.constant 0 : i32
    %dma_wait3A_35 = tpu.memref_slice %arg7[%dma_wait3A_33, %dma_wait3A_34] : memref<80x125xi32, #tpu.memory_space<vmem>> -> memref<1x125xi32, #tpu.memory_space<vmem>>
    %dma_wait3A_36 = tpu.memref_squeeze %dma_wait3A_35 : memref<1x125xi32, #tpu.memory_space<vmem>> -> memref<125xi32, #tpu.memory_space<vmem>>
    %dma_wait3A_37 = arith.constant 0 : i32
    %dma_wait3A_38 = arith.constant 0 : i32
    %dma_wait3A_39 = tpu.memref_slice %arg2[%dma_wait3A_37, %dma_wait3A_38] : memref<10112x16xf32, #tpu.memory_space<hbm>> -> memref<10112x16xf32, #tpu.memory_space<hbm>>
    tpu.wait_indirect_dma semaphore(%arg13 : memref<!tpu.dma_semaphore, #tpu.memory_space<semaphore_mem>>) src(%dma_wait3A_39 : memref<10112x16xf32, #tpu.memory_space<hbm>>) dst(%arg10 : memref<125x16xf32, #tpu.memory_space<vmem>>)
    %run_scoped3A_40 = arith.constant 79 : i32
    "tpu.region"() ({
      %run_scoped3A_46 = tpu.sem_alloc : memref<!tpu.dma_semaphore, #tpu.memory_space<semaphore_mem>>
      %dma_start3A_47 = arith.constant 0 : i32
      %dma_start3A_48 = tpu.memref_slice %arg8[%run_scoped3A_40, %dma_start3A_47] : memref<80x125xi32, #tpu.memory_space<vmem>> -> memref<1x125xi32, #tpu.memory_space<vmem>>
      %dma_start3A_49 = tpu.memref_squeeze %dma_start3A_48 : memref<1x125xi32, #tpu.memory_space<vmem>> -> memref<125xi32, #tpu.memory_space<vmem>>
      %dma_start3A_50 = arith.constant 0 : i32
      %dma_start3A_51 = arith.constant 0 : i32
      %dma_start3A_52 = tpu.memref_slice %arg11[%dma_start3A_50, %dma_start3A_51] : memref<10112x16xf32, #tpu.memory_space<vmem_shared>> -> memref<10112x16xf32, #tpu.memory_space<vmem_shared>>
      tpu.enqueue_indirect_dma source(%arg10 : memref<125x16xf32, #tpu.memory_space<vmem>>) target(%dma_start3A_52 : memref<10112x16xf32, #tpu.memory_space<vmem_shared>>) offsets(%dma_start3A_49 : memref<125xi32, #tpu.memory_space<vmem>>) semaphore(%run_scoped3A_46 : memref<!tpu.dma_semaphore, #tpu.memory_space<semaphore_mem>>) {add = true}
      %dma_wait3A_53 = arith.constant 0 : i32
      %dma_wait3A_54 = tpu.memref_slice %arg8[%run_scoped3A_40, %dma_wait3A_53] : memref<80x125xi32, #tpu.memory_space<vmem>> -> memref<1x125xi32, #tpu.memory_space<vmem>>
      %dma_wait3A_55 = tpu.memref_squeeze %dma_wait3A_54 : memref<1x125xi32, #tpu.memory_space<vmem>> -> memref<125xi32, #tpu.memory_space<vmem>>
      %dma_wait3A_56 = arith.constant 0 : i32
      %dma_wait3A_57 = arith.constant 0 : i32
      %dma_wait3A_58 = tpu.memref_slice %arg11[%dma_wait3A_56, %dma_wait3A_57] : memref<10112x16xf32, #tpu.memory_space<vmem_shared>> -> memref<10112x16xf32, #tpu.memory_space<vmem_shared>>
      tpu.wait_indirect_dma semaphore(%run_scoped3A_46 : memref<!tpu.dma_semaphore, #tpu.memory_space<semaphore_mem>>) src(%arg10 : memref<125x16xf32, #tpu.memory_space<vmem>>) dst(%dma_wait3A_58 : memref<10112x16xf32, #tpu.memory_space<vmem_shared>>)
      tpu.yield
    }) : () -> ()
    %barrier3A_41 = arith.constant 0 : index
    tpu.barrier barrier_id(%barrier3A_41)
    %mul3A_42 = arith.constant 632 : i32
    %mul3A_43 = arith.muli %arg1, %mul3A_42 : i32
    %mul3A_44 = arith.constant 632 : i32
    %mul3A_45 = arith.muli %arg1, %mul3A_44 : i32
    "tpu.region"() ({
      %run_scoped3A_46 = tpu.sem_alloc : memref<!tpu.dma_semaphore, #tpu.memory_space<semaphore_mem>>
      %dma_start3A_47 = arith.constant 0 : i32
      %dma_start3A_48 = tpu.memref_slice %arg6[%arg0, %mul3A_45, %dma_start3A_47] : memref<2x10112x16xf32, #tpu.memory_space<hbm>> -> memref<1x632x16xf32, #tpu.memory_space<hbm>>
      %dma_start3A_49 = tpu.memref_squeeze %dma_start3A_48 : memref<1x632x16xf32, #tpu.memory_space<hbm>> -> memref<632x16xf32, #tpu.memory_space<hbm>>
      %dma_start3A_50 = arith.constant 0 : i32
      %dma_start3A_51 = tpu.memref_slice %arg11[%mul3A_43, %dma_start3A_50] : memref<10112x16xf32, #tpu.memory_space<vmem_shared>> -> memref<632x16xf32, #tpu.memory_space<vmem_shared>>
      tpu.enqueue_dma source(%dma_start3A_51 : memref<632x16xf32, #tpu.memory_space<vmem_shared>>) target(%dma_start3A_49 : memref<632x16xf32, #tpu.memory_space<hbm>>) target_semaphore(%run_scoped3A_46 : memref<!tpu.dma_semaphore, #tpu.memory_space<semaphore_mem>>)
      %dma_wait3A_52 = arith.constant 0 : i32
      %dma_wait3A_53 = tpu.memref_slice %arg6[%arg0, %mul3A_45, %dma_wait3A_52] : memref<2x10112x16xf32, #tpu.memory_space<hbm>> -> memref<1x632x16xf32, #tpu.memory_space<hbm>>
      %dma_wait3A_54 = tpu.memref_squeeze %dma_wait3A_53 : memref<1x632x16xf32, #tpu.memory_space<hbm>> -> memref<632x16xf32, #tpu.memory_space<hbm>>
      %dma_wait3A_55 = arith.constant 0 : i32
      %dma_wait3A_56 = tpu.memref_slice %arg11[%mul3A_43, %dma_wait3A_55] : memref<10112x16xf32, #tpu.memory_space<vmem_shared>> -> memref<632x16xf32, #tpu.memory_space<vmem_shared>>
      tpu.wait_dma2 semaphore(%run_scoped3A_46 : memref<!tpu.dma_semaphore, #tpu.memory_space<semaphore_mem>>) src(%dma_wait3A_56 : memref<632x16xf32, #tpu.memory_space<vmem_shared>>) dst(%dma_wait3A_54 : memref<632x16xf32, #tpu.memory_space<hbm>>)
      tpu.yield
    }) : () -> ()
    return
  }
}

#map = affine_map<(d0, d1) -> (0, 0)>
#map1 = affine_map<(d0, d1) -> (0, 0, 0)>
module attributes {stable_mosaic.version = 14 : i64} {
  func.func @agg(%arg0: i32, %arg1: i32, %arg2: memref<10000x32xf32, #tpu.memory_space<hbm>>, %arg3: memref<2560x125xi32, #tpu.memory_space<hbm>>, %arg4: memref<2560x125xi32, #tpu.memory_space<hbm>>, %arg5: memref<10112x32xf32, #tpu.memory_space<hbm>>, %arg6: memref<2x10112x32xf32, #tpu.memory_space<hbm>>, %arg7: memref<80x125xi32, #tpu.memory_space<vmem>>, %arg8: memref<80x125xi32, #tpu.memory_space<vmem>>, %arg9: memref<125x32xf32, #tpu.memory_space<vmem>>, %arg10: memref<125x32xf32, #tpu.memory_space<vmem>>, %arg11: memref<10112x32xf32, #tpu.memory_space<vmem_shared>>, %arg12: memref<!tpu.dma_semaphore, #tpu.memory_space<semaphore_mem>>, %arg13: memref<!tpu.dma_semaphore, #tpu.memory_space<semaphore_mem>>) attributes {dimension_semantics = [#tpu.dimension_semantics<core_parallel>, #tpu.dimension_semantics<subcore_parallel>], iteration_bounds = array<i64: 2, 16>, scalar_prefetch = 0 : i64, scratch_operands = 7 : i64, tpu.core_type = #tpu.core_type<sc_vector_subcore>, window_params = [{transform_indices = #map}, {transform_indices = #map}, {transform_indices = #map}, {transform_indices = #map}, {transform_indices = #map1}]} {
    %mul3A = arith.constant 2 : i32
    %mul3A_0 = arith.muli %arg1, %mul3A : i32
    %add3A = arith.addi %mul3A_0, %arg0 : i32
    %mul3A_1 = arith.constant 632 : i32
    %mul3A_2 = arith.muli %arg1, %mul3A_1 : i32
    %mul3A_3 = arith.constant 632 : i32
    %mul3A_4 = arith.muli %arg1, %mul3A_3 : i32
    "tpu.region"() ({
      %run_scoped3A_46 = tpu.sem_alloc : memref<!tpu.dma_semaphore, #tpu.memory_space<semaphore_mem>>
      %dma_start3A_47 = arith.constant 0 : i32
      %dma_start3A_48 = tpu.memref_slice %arg11[%mul3A_4, %dma_start3A_47] : memref<10112x32xf32, #tpu.memory_space<vmem_shared>> -> memref<632x32xf32, #tpu.memory_space<vmem_shared>>
      %dma_start3A_49 = arith.constant 0 : i32
      %dma_start3A_50 = tpu.memref_slice %arg5[%mul3A_2, %dma_start3A_49] : memref<10112x32xf32, #tpu.memory_space<hbm>> -> memref<632x32xf32, #tpu.memory_space<hbm>>
      tpu.enqueue_dma source(%dma_start3A_50 : memref<632x32xf32, #tpu.memory_space<hbm>>) target(%dma_start3A_48 : memref<632x32xf32, #tpu.memory_space<vmem_shared>>) target_semaphore(%run_scoped3A_46 : memref<!tpu.dma_semaphore, #tpu.memory_space<semaphore_mem>>)
      %dma_wait3A_51 = arith.constant 0 : i32
      %dma_wait3A_52 = tpu.memref_slice %arg11[%mul3A_4, %dma_wait3A_51] : memref<10112x32xf32, #tpu.memory_space<vmem_shared>> -> memref<632x32xf32, #tpu.memory_space<vmem_shared>>
      %dma_wait3A_53 = arith.constant 0 : i32
      %dma_wait3A_54 = tpu.memref_slice %arg5[%mul3A_2, %dma_wait3A_53] : memref<10112x32xf32, #tpu.memory_space<hbm>> -> memref<632x32xf32, #tpu.memory_space<hbm>>
      tpu.wait_dma2 semaphore(%run_scoped3A_46 : memref<!tpu.dma_semaphore, #tpu.memory_space<semaphore_mem>>) src(%dma_wait3A_54 : memref<632x32xf32, #tpu.memory_space<hbm>>) dst(%dma_wait3A_52 : memref<632x32xf32, #tpu.memory_space<vmem_shared>>)
      tpu.yield
    }) : () -> ()
    %mul3A_5 = arith.constant 80 : i32
    %mul3A_6 = arith.muli %add3A, %mul3A_5 : i32
    "tpu.region"() ({
      %run_scoped3A_46 = tpu.sem_alloc : memref<!tpu.dma_semaphore, #tpu.memory_space<semaphore_mem>>
      %dma_start3A_47 = arith.constant 0 : i32
      %dma_start3A_48 = tpu.memref_slice %arg3[%mul3A_6, %dma_start3A_47] : memref<2560x125xi32, #tpu.memory_space<hbm>> -> memref<80x125xi32, #tpu.memory_space<hbm>>
      %dma_start3A_49 = arith.constant 0 : i32
      %dma_start3A_50 = tpu.memref_slice %arg3[%mul3A_6, %dma_start3A_49] : memref<2560x125xi32, #tpu.memory_space<hbm>> -> memref<80x125xi32, #tpu.memory_space<hbm>>
      tpu.enqueue_dma source(%dma_start3A_50 : memref<80x125xi32, #tpu.memory_space<hbm>>) target(%arg7 : memref<80x125xi32, #tpu.memory_space<vmem>>) target_semaphore(%run_scoped3A_46 : memref<!tpu.dma_semaphore, #tpu.memory_space<semaphore_mem>>)
      %dma_wait3A_51 = arith.constant 0 : i32
      %dma_wait3A_52 = tpu.memref_slice %arg3[%mul3A_6, %dma_wait3A_51] : memref<2560x125xi32, #tpu.memory_space<hbm>> -> memref<80x125xi32, #tpu.memory_space<hbm>>
      %dma_wait3A_53 = arith.constant 0 : i32
      %dma_wait3A_54 = tpu.memref_slice %arg3[%mul3A_6, %dma_wait3A_53] : memref<2560x125xi32, #tpu.memory_space<hbm>> -> memref<80x125xi32, #tpu.memory_space<hbm>>
      tpu.wait_dma2 semaphore(%run_scoped3A_46 : memref<!tpu.dma_semaphore, #tpu.memory_space<semaphore_mem>>) src(%dma_wait3A_54 : memref<80x125xi32, #tpu.memory_space<hbm>>) dst(%arg7 : memref<80x125xi32, #tpu.memory_space<vmem>>)
      tpu.yield
    }) : () -> ()
    %mul3A_7 = arith.constant 80 : i32
    %mul3A_8 = arith.muli %add3A, %mul3A_7 : i32
    "tpu.region"() ({
      %run_scoped3A_46 = tpu.sem_alloc : memref<!tpu.dma_semaphore, #tpu.memory_space<semaphore_mem>>
      %dma_start3A_47 = arith.constant 0 : i32
      %dma_start3A_48 = tpu.memref_slice %arg4[%mul3A_8, %dma_start3A_47] : memref<2560x125xi32, #tpu.memory_space<hbm>> -> memref<80x125xi32, #tpu.memory_space<hbm>>
      %dma_start3A_49 = arith.constant 0 : i32
      %dma_start3A_50 = tpu.memref_slice %arg4[%mul3A_8, %dma_start3A_49] : memref<2560x125xi32, #tpu.memory_space<hbm>> -> memref<80x125xi32, #tpu.memory_space<hbm>>
      tpu.enqueue_dma source(%dma_start3A_50 : memref<80x125xi32, #tpu.memory_space<hbm>>) target(%arg8 : memref<80x125xi32, #tpu.memory_space<vmem>>) target_semaphore(%run_scoped3A_46 : memref<!tpu.dma_semaphore, #tpu.memory_space<semaphore_mem>>)
      %dma_wait3A_51 = arith.constant 0 : i32
      %dma_wait3A_52 = tpu.memref_slice %arg4[%mul3A_8, %dma_wait3A_51] : memref<2560x125xi32, #tpu.memory_space<hbm>> -> memref<80x125xi32, #tpu.memory_space<hbm>>
      %dma_wait3A_53 = arith.constant 0 : i32
      %dma_wait3A_54 = tpu.memref_slice %arg4[%mul3A_8, %dma_wait3A_53] : memref<2560x125xi32, #tpu.memory_space<hbm>> -> memref<80x125xi32, #tpu.memory_space<hbm>>
      tpu.wait_dma2 semaphore(%run_scoped3A_46 : memref<!tpu.dma_semaphore, #tpu.memory_space<semaphore_mem>>) src(%dma_wait3A_54 : memref<80x125xi32, #tpu.memory_space<hbm>>) dst(%arg8 : memref<80x125xi32, #tpu.memory_space<vmem>>)
      tpu.yield
    }) : () -> ()
    %barrier3A = arith.constant 0 : index
    tpu.barrier barrier_id(%barrier3A)
    %dma_start3A = arith.constant 0 : i32
    %dma_start3A_9 = arith.constant 0 : i32
    %dma_start3A_10 = tpu.memref_slice %arg7[%dma_start3A, %dma_start3A_9] : memref<80x125xi32, #tpu.memory_space<vmem>> -> memref<1x125xi32, #tpu.memory_space<vmem>>
    %dma_start3A_11 = tpu.memref_squeeze %dma_start3A_10 : memref<1x125xi32, #tpu.memory_space<vmem>> -> memref<125xi32, #tpu.memory_space<vmem>>
    %dma_start3A_12 = arith.constant 0 : i32
    %dma_start3A_13 = arith.constant 0 : i32
    %dma_start3A_14 = tpu.memref_slice %arg2[%dma_start3A_12, %dma_start3A_13] : memref<10000x32xf32, #tpu.memory_space<hbm>> -> memref<10000x32xf32, #tpu.memory_space<hbm>>
    tpu.enqueue_indirect_dma source(%dma_start3A_14 : memref<10000x32xf32, #tpu.memory_space<hbm>>) target(%arg9 : memref<125x32xf32, #tpu.memory_space<vmem>>) offsets(%dma_start3A_11 : memref<125xi32, #tpu.memory_space<vmem>>) semaphore(%arg12 : memref<!tpu.dma_semaphore, #tpu.memory_space<semaphore_mem>>)
    %scan3A = arith.constant 0 : i32
    %scan3A_15 = arith.constant 0 : i32
    %scan3A_16 = arith.constant 39 : i32
    %scan3A_17 = arith.addi %scan3A_15, %scan3A_16 : i32
    %scan3A_18 = arith.constant 1 : i32
    scf.for %scan3A_46 = %scan3A_15 to %scan3A_17 step %scan3A_18  : i32 {
      %mul3A_47 = arith.constant 2 : i32
      %mul3A_48 = arith.muli %mul3A_47, %scan3A_46 : i32
      %add3A_49 = arith.constant 1 : i32
      %add3A_50 = arith.addi %mul3A_48, %add3A_49 : i32
      %dma_start3A_51 = arith.constant 0 : i32
      %dma_start3A_52 = tpu.memref_slice %arg7[%add3A_50, %dma_start3A_51] : memref<80x125xi32, #tpu.memory_space<vmem>> -> memref<1x125xi32, #tpu.memory_space<vmem>>
      %dma_start3A_53 = tpu.memref_squeeze %dma_start3A_52 : memref<1x125xi32, #tpu.memory_space<vmem>> -> memref<125xi32, #tpu.memory_space<vmem>>
      %dma_start3A_54 = arith.constant 0 : i32
      %dma_start3A_55 = arith.constant 0 : i32
      %dma_start3A_56 = tpu.memref_slice %arg2[%dma_start3A_54, %dma_start3A_55] : memref<10000x32xf32, #tpu.memory_space<hbm>> -> memref<10000x32xf32, #tpu.memory_space<hbm>>
      tpu.enqueue_indirect_dma source(%dma_start3A_56 : memref<10000x32xf32, #tpu.memory_space<hbm>>) target(%arg10 : memref<125x32xf32, #tpu.memory_space<vmem>>) offsets(%dma_start3A_53 : memref<125xi32, #tpu.memory_space<vmem>>) semaphore(%arg13 : memref<!tpu.dma_semaphore, #tpu.memory_space<semaphore_mem>>)
      %dma_wait3A_57 = arith.constant 0 : i32
      %dma_wait3A_58 = tpu.memref_slice %arg7[%mul3A_48, %dma_wait3A_57] : memref<80x125xi32, #tpu.memory_space<vmem>> -> memref<1x125xi32, #tpu.memory_space<vmem>>
      %dma_wait3A_59 = tpu.memref_squeeze %dma_wait3A_58 : memref<1x125xi32, #tpu.memory_space<vmem>> -> memref<125xi32, #tpu.memory_space<vmem>>
      %dma_wait3A_60 = arith.constant 0 : i32
      %dma_wait3A_61 = arith.constant 0 : i32
      %dma_wait3A_62 = tpu.memref_slice %arg2[%dma_wait3A_60, %dma_wait3A_61] : memref<10000x32xf32, #tpu.memory_space<hbm>> -> memref<10000x32xf32, #tpu.memory_space<hbm>>
      tpu.wait_indirect_dma semaphore(%arg12 : memref<!tpu.dma_semaphore, #tpu.memory_space<semaphore_mem>>) src(%dma_wait3A_62 : memref<10000x32xf32, #tpu.memory_space<hbm>>) dst(%arg9 : memref<125x32xf32, #tpu.memory_space<vmem>>)
      "tpu.region"() ({
        %run_scoped3A_79 = tpu.sem_alloc : memref<!tpu.dma_semaphore, #tpu.memory_space<semaphore_mem>>
        %dma_start3A_80 = arith.constant 0 : i32
        %dma_start3A_81 = tpu.memref_slice %arg8[%mul3A_48, %dma_start3A_80] : memref<80x125xi32, #tpu.memory_space<vmem>> -> memref<1x125xi32, #tpu.memory_space<vmem>>
        %dma_start3A_82 = tpu.memref_squeeze %dma_start3A_81 : memref<1x125xi32, #tpu.memory_space<vmem>> -> memref<125xi32, #tpu.memory_space<vmem>>
        %dma_start3A_83 = arith.constant 0 : i32
        %dma_start3A_84 = arith.constant 0 : i32
        %dma_start3A_85 = tpu.memref_slice %arg11[%dma_start3A_83, %dma_start3A_84] : memref<10112x32xf32, #tpu.memory_space<vmem_shared>> -> memref<10112x32xf32, #tpu.memory_space<vmem_shared>>
        tpu.enqueue_indirect_dma source(%arg9 : memref<125x32xf32, #tpu.memory_space<vmem>>) target(%dma_start3A_85 : memref<10112x32xf32, #tpu.memory_space<vmem_shared>>) offsets(%dma_start3A_82 : memref<125xi32, #tpu.memory_space<vmem>>) semaphore(%run_scoped3A_79 : memref<!tpu.dma_semaphore, #tpu.memory_space<semaphore_mem>>) {add = true}
        %dma_wait3A_86 = arith.constant 0 : i32
        %dma_wait3A_87 = tpu.memref_slice %arg8[%mul3A_48, %dma_wait3A_86] : memref<80x125xi32, #tpu.memory_space<vmem>> -> memref<1x125xi32, #tpu.memory_space<vmem>>
        %dma_wait3A_88 = tpu.memref_squeeze %dma_wait3A_87 : memref<1x125xi32, #tpu.memory_space<vmem>> -> memref<125xi32, #tpu.memory_space<vmem>>
        %dma_wait3A_89 = arith.constant 0 : i32
        %dma_wait3A_90 = arith.constant 0 : i32
        %dma_wait3A_91 = tpu.memref_slice %arg11[%dma_wait3A_89, %dma_wait3A_90] : memref<10112x32xf32, #tpu.memory_space<vmem_shared>> -> memref<10112x32xf32, #tpu.memory_space<vmem_shared>>
        tpu.wait_indirect_dma semaphore(%run_scoped3A_79 : memref<!tpu.dma_semaphore, #tpu.memory_space<semaphore_mem>>) src(%arg9 : memref<125x32xf32, #tpu.memory_space<vmem>>) dst(%dma_wait3A_91 : memref<10112x32xf32, #tpu.memory_space<vmem_shared>>)
        tpu.yield
      }) : () -> ()
      %add3A_63 = arith.constant 2 : i32
      %add3A_64 = arith.addi %mul3A_48, %add3A_63 : i32
      %dma_start3A_65 = arith.constant 0 : i32
      %dma_start3A_66 = tpu.memref_slice %arg7[%add3A_64, %dma_start3A_65] : memref<80x125xi32, #tpu.memory_space<vmem>> -> memref<1x125xi32, #tpu.memory_space<vmem>>
      %dma_start3A_67 = tpu.memref_squeeze %dma_start3A_66 : memref<1x125xi32, #tpu.memory_space<vmem>> -> memref<125xi32, #tpu.memory_space<vmem>>
      %dma_start3A_68 = arith.constant 0 : i32
      %dma_start3A_69 = arith.constant 0 : i32
      %dma_start3A_70 = tpu.memref_slice %arg2[%dma_start3A_68, %dma_start3A_69] : memref<10000x32xf32, #tpu.memory_space<hbm>> -> memref<10000x32xf32, #tpu.memory_space<hbm>>
      tpu.enqueue_indirect_dma source(%dma_start3A_70 : memref<10000x32xf32, #tpu.memory_space<hbm>>) target(%arg9 : memref<125x32xf32, #tpu.memory_space<vmem>>) offsets(%dma_start3A_67 : memref<125xi32, #tpu.memory_space<vmem>>) semaphore(%arg12 : memref<!tpu.dma_semaphore, #tpu.memory_space<semaphore_mem>>)
      %add3A_71 = arith.constant 1 : i32
      %add3A_72 = arith.addi %mul3A_48, %add3A_71 : i32
      %dma_wait3A_73 = arith.constant 0 : i32
      %dma_wait3A_74 = tpu.memref_slice %arg7[%add3A_72, %dma_wait3A_73] : memref<80x125xi32, #tpu.memory_space<vmem>> -> memref<1x125xi32, #tpu.memory_space<vmem>>
      %dma_wait3A_75 = tpu.memref_squeeze %dma_wait3A_74 : memref<1x125xi32, #tpu.memory_space<vmem>> -> memref<125xi32, #tpu.memory_space<vmem>>
      %dma_wait3A_76 = arith.constant 0 : i32
      %dma_wait3A_77 = arith.constant 0 : i32
      %dma_wait3A_78 = tpu.memref_slice %arg2[%dma_wait3A_76, %dma_wait3A_77] : memref<10000x32xf32, #tpu.memory_space<hbm>> -> memref<10000x32xf32, #tpu.memory_space<hbm>>
      tpu.wait_indirect_dma semaphore(%arg13 : memref<!tpu.dma_semaphore, #tpu.memory_space<semaphore_mem>>) src(%dma_wait3A_78 : memref<10000x32xf32, #tpu.memory_space<hbm>>) dst(%arg10 : memref<125x32xf32, #tpu.memory_space<vmem>>)
      "tpu.region"() ({
        %run_scoped3A_79 = tpu.sem_alloc : memref<!tpu.dma_semaphore, #tpu.memory_space<semaphore_mem>>
        %dma_start3A_80 = arith.constant 0 : i32
        %dma_start3A_81 = tpu.memref_slice %arg8[%add3A_72, %dma_start3A_80] : memref<80x125xi32, #tpu.memory_space<vmem>> -> memref<1x125xi32, #tpu.memory_space<vmem>>
        %dma_start3A_82 = tpu.memref_squeeze %dma_start3A_81 : memref<1x125xi32, #tpu.memory_space<vmem>> -> memref<125xi32, #tpu.memory_space<vmem>>
        %dma_start3A_83 = arith.constant 0 : i32
        %dma_start3A_84 = arith.constant 0 : i32
        %dma_start3A_85 = tpu.memref_slice %arg11[%dma_start3A_83, %dma_start3A_84] : memref<10112x32xf32, #tpu.memory_space<vmem_shared>> -> memref<10112x32xf32, #tpu.memory_space<vmem_shared>>
        tpu.enqueue_indirect_dma source(%arg10 : memref<125x32xf32, #tpu.memory_space<vmem>>) target(%dma_start3A_85 : memref<10112x32xf32, #tpu.memory_space<vmem_shared>>) offsets(%dma_start3A_82 : memref<125xi32, #tpu.memory_space<vmem>>) semaphore(%run_scoped3A_79 : memref<!tpu.dma_semaphore, #tpu.memory_space<semaphore_mem>>) {add = true}
        %dma_wait3A_86 = arith.constant 0 : i32
        %dma_wait3A_87 = tpu.memref_slice %arg8[%add3A_72, %dma_wait3A_86] : memref<80x125xi32, #tpu.memory_space<vmem>> -> memref<1x125xi32, #tpu.memory_space<vmem>>
        %dma_wait3A_88 = tpu.memref_squeeze %dma_wait3A_87 : memref<1x125xi32, #tpu.memory_space<vmem>> -> memref<125xi32, #tpu.memory_space<vmem>>
        %dma_wait3A_89 = arith.constant 0 : i32
        %dma_wait3A_90 = arith.constant 0 : i32
        %dma_wait3A_91 = tpu.memref_slice %arg11[%dma_wait3A_89, %dma_wait3A_90] : memref<10112x32xf32, #tpu.memory_space<vmem_shared>> -> memref<10112x32xf32, #tpu.memory_space<vmem_shared>>
        tpu.wait_indirect_dma semaphore(%run_scoped3A_79 : memref<!tpu.dma_semaphore, #tpu.memory_space<semaphore_mem>>) src(%arg10 : memref<125x32xf32, #tpu.memory_space<vmem>>) dst(%dma_wait3A_91 : memref<10112x32xf32, #tpu.memory_space<vmem_shared>>)
        tpu.yield
      }) : () -> ()
    }
    %scan3A_19 = arith.constant 39 : i32
    %dma_start3A_20 = arith.constant 79 : i32
    %dma_start3A_21 = arith.constant 0 : i32
    %dma_start3A_22 = tpu.memref_slice %arg7[%dma_start3A_20, %dma_start3A_21] : memref<80x125xi32, #tpu.memory_space<vmem>> -> memref<1x125xi32, #tpu.memory_space<vmem>>
    %dma_start3A_23 = tpu.memref_squeeze %dma_start3A_22 : memref<1x125xi32, #tpu.memory_space<vmem>> -> memref<125xi32, #tpu.memory_space<vmem>>
    %dma_start3A_24 = arith.constant 0 : i32
    %dma_start3A_25 = arith.constant 0 : i32
    %dma_start3A_26 = tpu.memref_slice %arg2[%dma_start3A_24, %dma_start3A_25] : memref<10000x32xf32, #tpu.memory_space<hbm>> -> memref<10000x32xf32, #tpu.memory_space<hbm>>
    tpu.enqueue_indirect_dma source(%dma_start3A_26 : memref<10000x32xf32, #tpu.memory_space<hbm>>) target(%arg10 : memref<125x32xf32, #tpu.memory_space<vmem>>) offsets(%dma_start3A_23 : memref<125xi32, #tpu.memory_space<vmem>>) semaphore(%arg13 : memref<!tpu.dma_semaphore, #tpu.memory_space<semaphore_mem>>)
    %dma_wait3A = arith.constant 78 : i32
    %dma_wait3A_27 = arith.constant 0 : i32
    %dma_wait3A_28 = tpu.memref_slice %arg7[%dma_wait3A, %dma_wait3A_27] : memref<80x125xi32, #tpu.memory_space<vmem>> -> memref<1x125xi32, #tpu.memory_space<vmem>>
    %dma_wait3A_29 = tpu.memref_squeeze %dma_wait3A_28 : memref<1x125xi32, #tpu.memory_space<vmem>> -> memref<125xi32, #tpu.memory_space<vmem>>
    %dma_wait3A_30 = arith.constant 0 : i32
    %dma_wait3A_31 = arith.constant 0 : i32
    %dma_wait3A_32 = tpu.memref_slice %arg2[%dma_wait3A_30, %dma_wait3A_31] : memref<10000x32xf32, #tpu.memory_space<hbm>> -> memref<10000x32xf32, #tpu.memory_space<hbm>>
    tpu.wait_indirect_dma semaphore(%arg12 : memref<!tpu.dma_semaphore, #tpu.memory_space<semaphore_mem>>) src(%dma_wait3A_32 : memref<10000x32xf32, #tpu.memory_space<hbm>>) dst(%arg9 : memref<125x32xf32, #tpu.memory_space<vmem>>)
    %run_scoped3A = arith.constant 78 : i32
    "tpu.region"() ({
      %run_scoped3A_46 = tpu.sem_alloc : memref<!tpu.dma_semaphore, #tpu.memory_space<semaphore_mem>>
      %dma_start3A_47 = arith.constant 0 : i32
      %dma_start3A_48 = tpu.memref_slice %arg8[%run_scoped3A, %dma_start3A_47] : memref<80x125xi32, #tpu.memory_space<vmem>> -> memref<1x125xi32, #tpu.memory_space<vmem>>
      %dma_start3A_49 = tpu.memref_squeeze %dma_start3A_48 : memref<1x125xi32, #tpu.memory_space<vmem>> -> memref<125xi32, #tpu.memory_space<vmem>>
      %dma_start3A_50 = arith.constant 0 : i32
      %dma_start3A_51 = arith.constant 0 : i32
      %dma_start3A_52 = tpu.memref_slice %arg11[%dma_start3A_50, %dma_start3A_51] : memref<10112x32xf32, #tpu.memory_space<vmem_shared>> -> memref<10112x32xf32, #tpu.memory_space<vmem_shared>>
      tpu.enqueue_indirect_dma source(%arg9 : memref<125x32xf32, #tpu.memory_space<vmem>>) target(%dma_start3A_52 : memref<10112x32xf32, #tpu.memory_space<vmem_shared>>) offsets(%dma_start3A_49 : memref<125xi32, #tpu.memory_space<vmem>>) semaphore(%run_scoped3A_46 : memref<!tpu.dma_semaphore, #tpu.memory_space<semaphore_mem>>) {add = true}
      %dma_wait3A_53 = arith.constant 0 : i32
      %dma_wait3A_54 = tpu.memref_slice %arg8[%run_scoped3A, %dma_wait3A_53] : memref<80x125xi32, #tpu.memory_space<vmem>> -> memref<1x125xi32, #tpu.memory_space<vmem>>
      %dma_wait3A_55 = tpu.memref_squeeze %dma_wait3A_54 : memref<1x125xi32, #tpu.memory_space<vmem>> -> memref<125xi32, #tpu.memory_space<vmem>>
      %dma_wait3A_56 = arith.constant 0 : i32
      %dma_wait3A_57 = arith.constant 0 : i32
      %dma_wait3A_58 = tpu.memref_slice %arg11[%dma_wait3A_56, %dma_wait3A_57] : memref<10112x32xf32, #tpu.memory_space<vmem_shared>> -> memref<10112x32xf32, #tpu.memory_space<vmem_shared>>
      tpu.wait_indirect_dma semaphore(%run_scoped3A_46 : memref<!tpu.dma_semaphore, #tpu.memory_space<semaphore_mem>>) src(%arg9 : memref<125x32xf32, #tpu.memory_space<vmem>>) dst(%dma_wait3A_58 : memref<10112x32xf32, #tpu.memory_space<vmem_shared>>)
      tpu.yield
    }) : () -> ()
    %dma_wait3A_33 = arith.constant 79 : i32
    %dma_wait3A_34 = arith.constant 0 : i32
    %dma_wait3A_35 = tpu.memref_slice %arg7[%dma_wait3A_33, %dma_wait3A_34] : memref<80x125xi32, #tpu.memory_space<vmem>> -> memref<1x125xi32, #tpu.memory_space<vmem>>
    %dma_wait3A_36 = tpu.memref_squeeze %dma_wait3A_35 : memref<1x125xi32, #tpu.memory_space<vmem>> -> memref<125xi32, #tpu.memory_space<vmem>>
    %dma_wait3A_37 = arith.constant 0 : i32
    %dma_wait3A_38 = arith.constant 0 : i32
    %dma_wait3A_39 = tpu.memref_slice %arg2[%dma_wait3A_37, %dma_wait3A_38] : memref<10000x32xf32, #tpu.memory_space<hbm>> -> memref<10000x32xf32, #tpu.memory_space<hbm>>
    tpu.wait_indirect_dma semaphore(%arg13 : memref<!tpu.dma_semaphore, #tpu.memory_space<semaphore_mem>>) src(%dma_wait3A_39 : memref<10000x32xf32, #tpu.memory_space<hbm>>) dst(%arg10 : memref<125x32xf32, #tpu.memory_space<vmem>>)
    %run_scoped3A_40 = arith.constant 79 : i32
    "tpu.region"() ({
      %run_scoped3A_46 = tpu.sem_alloc : memref<!tpu.dma_semaphore, #tpu.memory_space<semaphore_mem>>
      %dma_start3A_47 = arith.constant 0 : i32
      %dma_start3A_48 = tpu.memref_slice %arg8[%run_scoped3A_40, %dma_start3A_47] : memref<80x125xi32, #tpu.memory_space<vmem>> -> memref<1x125xi32, #tpu.memory_space<vmem>>
      %dma_start3A_49 = tpu.memref_squeeze %dma_start3A_48 : memref<1x125xi32, #tpu.memory_space<vmem>> -> memref<125xi32, #tpu.memory_space<vmem>>
      %dma_start3A_50 = arith.constant 0 : i32
      %dma_start3A_51 = arith.constant 0 : i32
      %dma_start3A_52 = tpu.memref_slice %arg11[%dma_start3A_50, %dma_start3A_51] : memref<10112x32xf32, #tpu.memory_space<vmem_shared>> -> memref<10112x32xf32, #tpu.memory_space<vmem_shared>>
      tpu.enqueue_indirect_dma source(%arg10 : memref<125x32xf32, #tpu.memory_space<vmem>>) target(%dma_start3A_52 : memref<10112x32xf32, #tpu.memory_space<vmem_shared>>) offsets(%dma_start3A_49 : memref<125xi32, #tpu.memory_space<vmem>>) semaphore(%run_scoped3A_46 : memref<!tpu.dma_semaphore, #tpu.memory_space<semaphore_mem>>) {add = true}
      %dma_wait3A_53 = arith.constant 0 : i32
      %dma_wait3A_54 = tpu.memref_slice %arg8[%run_scoped3A_40, %dma_wait3A_53] : memref<80x125xi32, #tpu.memory_space<vmem>> -> memref<1x125xi32, #tpu.memory_space<vmem>>
      %dma_wait3A_55 = tpu.memref_squeeze %dma_wait3A_54 : memref<1x125xi32, #tpu.memory_space<vmem>> -> memref<125xi32, #tpu.memory_space<vmem>>
      %dma_wait3A_56 = arith.constant 0 : i32
      %dma_wait3A_57 = arith.constant 0 : i32
      %dma_wait3A_58 = tpu.memref_slice %arg11[%dma_wait3A_56, %dma_wait3A_57] : memref<10112x32xf32, #tpu.memory_space<vmem_shared>> -> memref<10112x32xf32, #tpu.memory_space<vmem_shared>>
      tpu.wait_indirect_dma semaphore(%run_scoped3A_46 : memref<!tpu.dma_semaphore, #tpu.memory_space<semaphore_mem>>) src(%arg10 : memref<125x32xf32, #tpu.memory_space<vmem>>) dst(%dma_wait3A_58 : memref<10112x32xf32, #tpu.memory_space<vmem_shared>>)
      tpu.yield
    }) : () -> ()
    %barrier3A_41 = arith.constant 0 : index
    tpu.barrier barrier_id(%barrier3A_41)
    %mul3A_42 = arith.constant 632 : i32
    %mul3A_43 = arith.muli %arg1, %mul3A_42 : i32
    %mul3A_44 = arith.constant 632 : i32
    %mul3A_45 = arith.muli %arg1, %mul3A_44 : i32
    "tpu.region"() ({
      %run_scoped3A_46 = tpu.sem_alloc : memref<!tpu.dma_semaphore, #tpu.memory_space<semaphore_mem>>
      %dma_start3A_47 = arith.constant 0 : i32
      %dma_start3A_48 = tpu.memref_slice %arg6[%arg0, %mul3A_45, %dma_start3A_47] : memref<2x10112x32xf32, #tpu.memory_space<hbm>> -> memref<1x632x32xf32, #tpu.memory_space<hbm>>
      %dma_start3A_49 = tpu.memref_squeeze %dma_start3A_48 : memref<1x632x32xf32, #tpu.memory_space<hbm>> -> memref<632x32xf32, #tpu.memory_space<hbm>>
      %dma_start3A_50 = arith.constant 0 : i32
      %dma_start3A_51 = tpu.memref_slice %arg11[%mul3A_43, %dma_start3A_50] : memref<10112x32xf32, #tpu.memory_space<vmem_shared>> -> memref<632x32xf32, #tpu.memory_space<vmem_shared>>
      tpu.enqueue_dma source(%dma_start3A_51 : memref<632x32xf32, #tpu.memory_space<vmem_shared>>) target(%dma_start3A_49 : memref<632x32xf32, #tpu.memory_space<hbm>>) target_semaphore(%run_scoped3A_46 : memref<!tpu.dma_semaphore, #tpu.memory_space<semaphore_mem>>)
      %dma_wait3A_52 = arith.constant 0 : i32
      %dma_wait3A_53 = tpu.memref_slice %arg6[%arg0, %mul3A_45, %dma_wait3A_52] : memref<2x10112x32xf32, #tpu.memory_space<hbm>> -> memref<1x632x32xf32, #tpu.memory_space<hbm>>
      %dma_wait3A_54 = tpu.memref_squeeze %dma_wait3A_53 : memref<1x632x32xf32, #tpu.memory_space<hbm>> -> memref<632x32xf32, #tpu.memory_space<hbm>>
      %dma_wait3A_55 = arith.constant 0 : i32
      %dma_wait3A_56 = tpu.memref_slice %arg11[%mul3A_43, %dma_wait3A_55] : memref<10112x32xf32, #tpu.memory_space<vmem_shared>> -> memref<632x32xf32, #tpu.memory_space<vmem_shared>>
      tpu.wait_dma2 semaphore(%run_scoped3A_46 : memref<!tpu.dma_semaphore, #tpu.memory_space<semaphore_mem>>) src(%dma_wait3A_56 : memref<632x32xf32, #tpu.memory_space<vmem_shared>>) dst(%dma_wait3A_54 : memref<632x32xf32, #tpu.memory_space<hbm>>)
      tpu.yield
    }) : () -> ()
    return
  }
}

module attributes {stable_mosaic.version = 14 : i64} {
  func.func @body(%arg0: memref<10000x128xf32, #tpu.memory_space<vmem>>, %arg1: memref<128x32xf32, #tpu.memory_space<vmem>>, %arg2: memref<10000x32xf32, #tpu.memory_space<vmem>>) attributes {dimension_semantics = [], scalar_prefetch = 0 : i64, scratch_operands = 0 : i64, tpu.core_type = #tpu.core_type<tc>} {
    %get3A = arith.constant 0 : index
    %get3A_0 = arith.constant 0 : index
    %get3A_1 = vector.load %arg0[%get3A, %get3A_0] : memref<10000x128xf32, #tpu.memory_space<vmem>>, vector<10000x128xf32>
    %get3A_2 = arith.constant 0 : index
    %get3A_3 = arith.constant 0 : index
    %get3A_4 = vector.load %arg1[%get3A_2, %get3A_3] : memref<128x32xf32, #tpu.memory_space<vmem>>, vector<128x32xf32>
    %dot_general3A = arith.constant dense<0.000000e+00> : vector<10000x32xf32>
    %dot_general3A_5 = tpu.matmul %get3A_1, %get3A_4, %dot_general3A {dimension_numbers = #tpu.dot_dimension_numbers<[1], [0], [0], [1], [0, 0, 1, 1], [], []>, transpose_lhs_hint = false} : vector<10000x128xf32>, vector<128x32xf32>, vector<10000x32xf32> -> vector<10000x32xf32>
    %swap3A = arith.constant 0 : index
    %swap3A_6 = arith.constant 0 : index
    %swap3A_7 = vector.load %arg2[%swap3A, %swap3A_6] : memref<10000x32xf32, #tpu.memory_space<vmem>>, vector<10000x32xf32>
    tpu.vector_store %arg2[%swap3A, %swap3A_6], %dot_general3A_5 {strides = array<i32>} : memref<10000x32xf32, #tpu.memory_space<vmem>>, vector<10000x32xf32>,
    return
  }
}

module attributes {stable_mosaic.version = 14 : i64} {
  func.func @body(%arg0: memref<2x10112x32xf32, #tpu.memory_space<vmem>>, %arg1: memref<32x16xf32, #tpu.memory_space<vmem>>, %arg2: memref<10112x16xf32, #tpu.memory_space<vmem>>) attributes {dimension_semantics = [], scalar_prefetch = 0 : i64, scratch_operands = 0 : i64, tpu.core_type = #tpu.core_type<tc>} {
    %get3A = arith.constant 0 : index
    %get3A_0 = arith.constant 0 : index
    %get3A_1 = arith.constant 0 : index
    %get3A_2 = vector.load %arg0[%get3A, %get3A_0, %get3A_1] : memref<2x10112x32xf32, #tpu.memory_space<vmem>>, vector<1x10112x32xf32>
    %get3A_3 = vector.shape_cast %get3A_2 : vector<1x10112x32xf32> to vector<10112x32xf32>
    %get3A_4 = arith.constant 1 : index
    %get3A_5 = arith.constant 0 : index
    %get3A_6 = arith.constant 0 : index
    %get3A_7 = vector.load %arg0[%get3A_4, %get3A_5, %get3A_6] : memref<2x10112x32xf32, #tpu.memory_space<vmem>>, vector<1x10112x32xf32>
    %get3A_8 = vector.shape_cast %get3A_7 : vector<1x10112x32xf32> to vector<10112x32xf32>
    %add3A = arith.addf %get3A_3, %get3A_8 : vector<10112x32xf32>
    %max3A = arith.constant 0.000000e+00 : f32
    %max3A_9 = vector.broadcast %max3A : f32 to vector<10112x32xf32>
    %max3A_10 = arith.maximumf %add3A, %max3A_9 : vector<10112x32xf32>
    %get3A_11 = arith.constant 0 : index
    %get3A_12 = arith.constant 0 : index
    %get3A_13 = vector.load %arg1[%get3A_11, %get3A_12] : memref<32x16xf32, #tpu.memory_space<vmem>>, vector<32x16xf32>
    %dot_general3A = arith.constant dense<0.000000e+00> : vector<10112x16xf32>
    %dot_general3A_14 = tpu.matmul %max3A_10, %get3A_13, %dot_general3A {dimension_numbers = #tpu.dot_dimension_numbers<[1], [0], [0], [1], [0, 0, 1, 1], [], []>, transpose_lhs_hint = false} : vector<10112x32xf32>, vector<32x16xf32>, vector<10112x16xf32> -> vector<10112x16xf32>
    %swap3A = arith.constant 0 : index
    %swap3A_15 = arith.constant 0 : index
    %swap3A_16 = vector.load %arg2[%swap3A, %swap3A_15] : memref<10112x16xf32, #tpu.memory_space<vmem>>, vector<10112x16xf32>
    tpu.vector_store %arg2[%swap3A, %swap3A_15], %dot_general3A_14 {strides = array<i32>} : memref<10112x16xf32, #tpu.memory_space<vmem>>, vector<10112x16xf32>,
    return
  }
}

module attributes {stable_mosaic.version = 14 : i64} {
  func.func @body(%arg0: i32, %arg1: memref<2x10112x16xf32, #tpu.memory_space<vmem>>, %arg2: memref<400x10000xf32, #tpu.memory_space<vmem>>, %arg3: memref<16x10000xf32, #tpu.memory_space<vmem>>) attributes {dimension_semantics = [#tpu.dimension_semantics<arbitrary>], iteration_bounds = array<i64: 25>, scalar_prefetch = 0 : i64, scratch_operands = 1 : i64, tpu.core_type = #tpu.core_type<tc>, window_params = [{pipeline_mode = #tpu.pipeline_mode<synchronous>, transform_indices = @transform_0, window_bounds = array<i64: 2, 10112, 16>}, {transform_indices = @transform_1, window_bounds = array<i64: 400, 10000>}]} {
    %eq3A = arith.constant 0 : i32
    %eq3A_0 = arith.cmpi eq, %arg0, %eq3A : i32
    %convert_element_type3A = arith.extui %eq3A_0 : i1 to i32
    %cond3A = arith.constant 0 : i32
    %cond3A_1 = arith.cmpi ne, %convert_element_type3A, %cond3A : i32
    scf.if %cond3A_1 {
      %get3A_20 = arith.constant 0 : index
      %get3A_21 = arith.constant 0 : index
      %get3A_22 = arith.constant 0 : index
      %get3A_23 = vector.load %arg1[%get3A_20, %get3A_21, %get3A_22] : memref<2x10112x16xf32, #tpu.memory_space<vmem>>, vector<1x10000x16xf32>
      %get3A_24 = vector.shape_cast %get3A_23 : vector<1x10000x16xf32> to vector<10000x16xf32>
      %get3A_25 = arith.constant 1 : index
      %get3A_26 = arith.constant 0 : index
      %get3A_27 = arith.constant 0 : index
      %get3A_28 = vector.load %arg1[%get3A_25, %get3A_26, %get3A_27] : memref<2x10112x16xf32, #tpu.memory_space<vmem>>, vector<1x10000x16xf32>
      %get3A_29 = vector.shape_cast %get3A_28 : vector<1x10000x16xf32> to vector<10000x16xf32>
      %add3A_30 = arith.addf %get3A_24, %get3A_29 : vector<10000x16xf32>
      %transpose3A = tpu.transpose %add3A_30, [1, 0] : vector<10000x16xf32> -> vector<16x10000xf32>
      %swap3A_31 = arith.constant 0 : index
      %swap3A_32 = arith.constant 0 : index
      %swap3A_33 = vector.load %arg3[%swap3A_31, %swap3A_32] : memref<16x10000xf32, #tpu.memory_space<vmem>>, vector<16x10000xf32>
      tpu.vector_store %arg3[%swap3A_31, %swap3A_32], %transpose3A {strides = array<i32>} : memref<16x10000xf32, #tpu.memory_space<vmem>>, vector<16x10000xf32>,
    } else {
    }
    %mul3A = arith.constant 400 : i32
    %mul3A_2 = arith.muli %arg0, %mul3A : i32
    %get3A = arith.constant 0 : index
    %get3A_3 = arith.index_cast %mul3A_2 : i32 to index
    %get3A_4 = arith.constant 0 : index
    %get3A_5 = vector.load %arg1[%get3A, %get3A_3, %get3A_4] : memref<2x10112x16xf32, #tpu.memory_space<vmem>>, vector<1x400x16xf32>
    %get3A_6 = vector.shape_cast %get3A_5 : vector<1x400x16xf32> to vector<400x16xf32>
    %mul3A_7 = arith.constant 400 : i32
    %mul3A_8 = arith.muli %arg0, %mul3A_7 : i32
    %get3A_9 = arith.constant 1 : index
    %get3A_10 = arith.index_cast %mul3A_8 : i32 to index
    %get3A_11 = arith.constant 0 : index
    %get3A_12 = vector.load %arg1[%get3A_9, %get3A_10, %get3A_11] : memref<2x10112x16xf32, #tpu.memory_space<vmem>>, vector<1x400x16xf32>
    %get3A_13 = vector.shape_cast %get3A_12 : vector<1x400x16xf32> to vector<400x16xf32>
    %add3A = arith.addf %get3A_6, %get3A_13 : vector<400x16xf32>
    %get3A_14 = arith.constant 0 : index
    %get3A_15 = arith.constant 0 : index
    %get3A_16 = vector.load %arg3[%get3A_14, %get3A_15] : memref<16x10000xf32, #tpu.memory_space<vmem>>, vector<16x10000xf32>
    %dot_general3A = arith.constant dense<0.000000e+00> : vector<400x10000xf32>
    %dot_general3A_17 = tpu.matmul %add3A, %get3A_16, %dot_general3A {dimension_numbers = #tpu.dot_dimension_numbers<[1], [0], [0], [1], [0, 0, 1, 1], [], []>, transpose_lhs_hint = false} : vector<400x16xf32>, vector<16x10000xf32>, vector<400x10000xf32> -> vector<400x10000xf32>
    %swap3A = arith.constant 0 : index
    %swap3A_18 = arith.constant 0 : index
    %swap3A_19 = vector.load %arg2[%swap3A, %swap3A_18] : memref<400x10000xf32, #tpu.memory_space<vmem>>, vector<400x10000xf32>
    tpu.vector_store %arg2[%swap3A, %swap3A_18], %dot_general3A_17 {strides = array<i32>} : memref<400x10000xf32, #tpu.memory_space<vmem>>, vector<400x10000xf32>,
    return
  }
  func.func @transform_0(%arg0: i32) -> (i32, i32, i32) {
    %c0_i32 = arith.constant 0 : i32
    %c0_i32_0 = arith.constant 0 : i32
    %c0_i32_1 = arith.constant 0 : i32
    %c0_i32_2 = arith.constant 0 : i32
    return %c0_i32, %c0_i32_0, %c0_i32_1 : i32, i32, i32
  }
  func.func @transform_1(%arg0: i32) -> (i32, i32) {
    %c0_i32 = arith.constant 0 : i32
    %c0_i32_0 = arith.constant 0 : i32
    return %arg0, %c0_i32 : i32, i32
  }
}

</mosaic_0001>

<sc_bundles>
// kernel: kernel.10.cloned.1.call-start
scs
__scs_entry_jumppad:
0x0: {  	(pc) =	sbr.rel $0x88, $3  }
0x1: {  	(tag) =	ssettag $0x0;
	lr =	simm.s32 $0x1  }
0x2: {  	[smem:$0x3F9D] =	sst lr;
	_ =	strace $0xD0000000  }
0x3: {  	_ = 	snop  }
0x4: {  	_ = 	snop  }
0x5: {  	_ = 	snop  }
0x6: {  	_ = 	snop  }
0x7: {  	_ = 	snop  }
__scs_overlays_trampoline_lowered:
0x8: {  	[smem:$0x3FAC] =	sst s0  }
0x9: {  	[smem:$0x3FAD] =	sst s1  }
0xa: {  	[smem:$0x3FAE] =	sst s2  }
0xb: {  	[smem:$0x3FAF] =	sst s3  }
0xc: {  	[smem:$0x3FB0] =	sst s4  }
0xd: {  	[smem:$0x3FB1] =	sst s5  }
0xe: {  	[smem:$0x3FB2] =	sst s6  }
0xf: {  	[smem:$0x3FB3] =	sst s7  }
0x10: {  	[smem:$0x3FB4] =	sst s8  }
0x11: {  	[smem:$0x3FB5] =	sst s9;
	s0 =	simm.s32 @!p0 $0x0  }
0x12: {  	s1 =	sld [smem:$0x3F9B];
	s0 =	simm.s32 @p0 $0x1  }
0x13: {  	[smem:$0x3FB6] =	sst s0;
	s0 =	simm.s32 @!p1 $0x0  }
0x14: {  	s2 =	sld [smem:$0x3F9A];
	s0 =	simm.s32 @p1 $0x1  }
0x15: {  	[smem:$0x3FB7] =	sst s0;
	s0 =	simm.s32 @!p2 $0x0  }
0x16: {  	s3 =	sld [smem:$0x3FDB];
	s0 =	simm.s32 @p2 $0x1  }
0x17: {  	s4 =	simm.s32 $0x1BF5;
	[smem:$0x3FB9] =	sst s0  }
0x18: {  	s0 =	sld [smem:$0x3F9C];
	_ =	swait.ge [sflag:s4], $0x0  }
0x19: {  	s7 =	sld [smem:$0x3F9D]  }
0x1a: {  	s8 =	sadd.s32 $0xFFFFE003, lr  }
0x1b: {  	s9 =	sadd.s32 $0xFFFFFEF7, lr;
	s5 =	simm.s32 $0xFFFFFFFF;
	p2 =	slt.u32 s8, $0xFFFFF086  }
0x1c: {  	p1 =	slt.u32 s9, $0xF7A;
	s5 =	simm.s32 @!p2 $0x0  }
0x1d: {  	s5 =	simm.s32 @p1 $0x1;
	p0 =	seq.s32 s7, s2  }
0x1e: {  	s7 =	smul.u32 @!p0 $0xF7A, s2;
	p2 =	seq.s32 @!p0 s5, $0x0  }
0x1f: {  	s9 =	smul.u32 $0xF7A, s1;
	s8 =	simm.s32 @!p0 $0x1BF5;
	p2 =	por !p2, p0  }
0x20: {  	[sflag:s8] =	ssyncset.s32 @!p0 $0xFFFFF086;
	s6 =	sadd.s32 @!p0 s3, s7;
	s7 =	simm.s32 @!p0 $0x108  }
0x21: {  	s3 =	sadd.s32 s3, s9;
	s6 =	sadd.s32 @!p0 $0x88, s6;
	s7 =	simm.s32 @p2 $0x1082  }
0x22: {  	[simem:s7], [sflag:s8] =	dma.local @!p0 [hbm:s6], $0xF7A  }
0x23: {  	s9 =	sor.u32 $0xD0000000, s2;
	s6 =	simm.s32 $0x108;
	_ =	swait.ge @!p0 [sflag:s8], $0x0  }
0x24: {  	s3 =	sadd.s32 $0x88, s3;
	s6 =	simm.s32 @!p1 $0x1082;
	[sflag:s4] =	ssyncset.s32 $0xFFFFF086  }
0x25: {  	[simem:s6], [sflag:s4] =	dma.local [hbm:s3], $0xF7A  }
0x26: {  	[smem:$0x3F9D] =	sst s1;
	(tag) =	ssettag s2;
	_ =	strace s9  }
0x27: {  	s1 =	sld [smem:$0x3FAD]  }
0x28: {  	s2 =	sld [smem:$0x3FAE]  }
0x29: {  	s4 =	sld [smem:$0x3FB0]  }
0x2a: {  	p0 =	seq.s32 s5, $0x0;
	s5 =	sld [smem:$0x3FB1]  }
0x2b: {  	s6 =	sld [smem:$0x3FB2]  }
0x2c: {  	s7 =	sld [smem:$0x3FB3]  }
0x2d: {  	s3 =	simm.s32 $0x108;
	s8 =	sld [smem:$0x3FB4]  }
0x2e: {  	s3 =	simm.s32 @!p0 $0x1082;
	s9 =	sld [smem:$0x3FB5]  }
0x2f: {  	lr =	sadd.s32 s0, s3;
	s0 =	sld [smem:$0x3FAC]  }
0x30: {  	s3 =	sld [smem:$0x3FAF]  }
0x31: {  	[smem:$0x3FB8] =	sst s10  }
0x32: {  	s10 =	sld [smem:$0x3FB6];
	_ =	sdelay $0x3  }
0x33: {  	p0 =	seq.s32 s10, $0x1;
	s10 =	sld [smem:$0x3FB8];
	_ =	sdelay $0x3  }
0x34: {  	[smem:$0x3FB8] =	sst s10  }
0x35: {  	s10 =	sld [smem:$0x3FB7];
	_ =	sdelay $0x3  }
0x36: {  	p1 =	seq.s32 s10, $0x1;
	s10 =	sld [smem:$0x3FB8];
	_ =	sdelay $0x3  }
0x37: {  	[smem:$0x3FB8] =	sst s10  }
0x38: {  	s10 =	sld [smem:$0x3FB9]  }
0x39: {  	_ = 	snop;
	(pc) =	sbr.ind lr, $3  }
0x3a: {  	_ = 	snop  }
0x3b: {  	_ = 	snop  }
0x3c: {  	p2 =	seq.s32 s10, $0x1;
	s10 =	sld [smem:$0x3FB8]  }
0x3d: {  	_ =	shalt  }
0x3e: {  	_ =	shalt  }
0x3f: {  	_ =	shalt  }
0x40: {  	_ =	shalt  }
0x41: {  	_ =	shalt  }
0x42: {  	_ =	shalt  }
0x43: {  	_ =	shalt  }
0x44: {  	_ =	shalt  }
0x45: {  	_ =	shalt  }
0x46: {  	_ =	shalt  }
0x47: {  	_ =	shalt  }
0x48: {  	_ =	shalt  }
0x49: {  	_ =	shalt  }
0x4a: {  	_ =	shalt  }
0x4b: {  	_ =	shalt  }
0x4c: {  	_ =	shalt  }
0x4d: {  	_ =	shalt  }
0x4e: {  	_ =	shalt  }
0x4f: {  	_ =	shalt  }
0x50: {  	_ =	shalt  }
0x51: {  	_ =	shalt  }
0x52: {  	_ =	shalt  }
0x53: {  	_ =	shalt  }
0x54: {  	_ =	shalt  }
0x55: {  	_ =	shalt  }
0x56: {  	_ =	shalt  }
0x57: {  	_ =	shalt  }
0x58: {  	_ =	shalt  }
0x59: {  	_ =	shalt  }
0x5a: {  	_ =	shalt  }
0x5b: {  	_ =	shalt  }
0x5c: {  	_ =	shalt  }
0x5d: {  	_ =	shalt  }
0x5e: {  	_ =	shalt  }
0x5f: {  	_ =	shalt  }
0x60: {  	_ =	shalt  }
0x61: {  	_ =	shalt  }
0x62: {  	_ =	shalt  }
0x63: {  	_ =	shalt  }
0x64: {  	_ =	shalt  }
0x65: {  	_ =	shalt  }
0x66: {  	_ =	shalt  }
0x67: {  	_ =	shalt  }
0x68: {  	_ =	shalt  }
0x69: {  	_ =	shalt  }
0x6a: {  	_ =	shalt  }
0x6b: {  	_ =	shalt  }
0x6c: {  	_ =	shalt  }
0x6d: {  	_ =	shalt  }
0x6e: {  	_ =	shalt  }
0x6f: {  	_ =	shalt  }
0x70: {  	_ =	shalt  }
0x71: {  	_ =	shalt  }
0x72: {  	_ =	shalt  }
0x73: {  	_ =	shalt  }
0x74: {  	_ =	shalt  }
0x75: {  	_ =	shalt  }
0x76: {  	_ =	shalt  }
0x77: {  	_ =	shalt  }
0x78: {  	_ =	shalt  }
0x79: {  	_ =	shalt  }
0x7a: {  	_ =	shalt  }
0x7b: {  	_ =	shalt  }
0x7c: {  	_ =	shalt  }
0x7d: {  	_ =	shalt  }
0x7e: {  	_ =	shalt  }
0x7f: {  	_ =	shalt  }
0x80: {  	_ =	shalt  }
0x81: {  	_ =	shalt  }
0x82: {  	_ =	shalt  }
0x83: {  	_ =	shalt  }
0x84: {  	_ =	shalt  }
0x85: {  	_ =	shalt  }
0x86: {  	_ =	shalt  }
0x87: {  	_ =	shalt  }
.Lfunc_end0:
.L_simem_size_0:
called_computation.1_lowered:
.L_overlay_start_0:
0x88: {  	s2 =	sld [smem:$0x3FD9]  }
0x89: {  	s3 =	sld [smem:$0x3FFE];
	_ =	sdelay $0x1  }
0x8a: {  	s1 =	srdreg.scid  }
0x8b: {  	s0 =	sand.u32 $0x1, s1  }
0x8c: {  	s17 =	sshll.u32 s0, $0xA;
	s2 =	sadd.s32 s3, s2  }
0x8d: {  	s2 =	sadd.s32 s2, s17  }
0x8e: {  	[smem:$0x3FC4] =	sst s2  }
0x8f: {  	_ = 	snop  }
0x90: {  	s2 =	sld [smem:$0x3FD0];
	(tm) =	ssettm $0x1  }
0x91: {  	s18 =	sld [smem:$0x3FFB];
	_ =	sdelay $0x3  }
0x92: {  	_ =	strace s18  }
0x93: {  	s3 =	sld [smem:$0x3FFC];
	_ =	sdelay $0x3  }
0x94: {  	_ =	strace s3  }
0x95: {  	s3 =	sld [smem:$0x3FFD];
	_ =	sdelay $0x3  }
0x96: {  	_ =	strace s3  }
0x97: {  	_ =	strace $0x8FFFFFFF  }
0x98: {  	s19 =	sld [smem:$0x3FDB];
	_ =	sdelay $0x1  }
0x99: {  	s4 =	simm.s32 $_scs_section_size  }
0x9a: {  	s5 =	simm.s32 $_size__tile_overlayer_lowered;
	s6 =	simm.s32 $_tile_overlayer_lowered  }
0x9b: {  	s22 =	simm.s32 $0x1BFF;
	s21 =	sshll.u32 s6, $0x1;
	s3 =	sadd.s32 s4, s19  }
0x9c: {  	s7 =	simm.s32 $0x0;
	s20 =	sshll.u32 s5, $0x1;
	s5 =	sadd.s32 s21, s3  }
0x9d: {  	[timem:s7], [sflag:s22] =	dma.local [hbm:s5], s20  }
0x9e: {  	_ =	swait.ge [sflag:s22], s20  }
0x9f: {  	s4 =	ssub.s32 $0x0, s20;
	[sflag:s22] =	ssyncset.done $0x0  }
0xa0: {  	[sflag:s22] =	ssyncadd.s32 s4;
	_ =	sdelay $0x1  }
0xa1: {  	s23 =	simm.s32 $0x1B8B  }
0xa2: {  	_ =	swait.ge [sflag:s23], $0x1  }
0xa3: {  	[sflag:s23] =	ssyncset.done $0x0  }
0xa4: {  	s25 =	simm.s32 $0x1B8E;
	s24 =	sld [smem:$0x3FFE];
	[sflag:s23] =	ssyncadd.s32 $0xFFFFFFFF  }
0xa5: {  	s26 =	simm.s32 $execute0_lowered;
	[smem:$0x3FD2] =	sst s25  }
0xa6: {  	s5 =	sshll.u32 s26, $0x1;
	_ =	strace $0x80000049;
	[dreg:$0x1] =	wrdreg $0xFFFFFFFF  }
0xa7: {  	s28 =	simm.s32 $_size_execute0_lowered;
	s3 =	sadd.s32 s3, s5;
	[dreg:$0x0] =	wrdreg $0x0  }
0xa8: {  	s5 =	sshll.u32 s28, $0x1;
	[dreg:$0x2] =	wrdreg s3  }
0xa9: {  	[dreg:$0x3] =	wrdreg s5  }
0xaa: {  	[dreg:$0x4] =	wrdreg $0xC0  }
0xab: {  	_ =	task [dreg:s7], $0x5FFFF  }
0xac: {  	[dreg:$0x1] =	wrdreg $0xFFFFFFFF  }
0xad: {  	[dreg:$0x0] =	wrdreg $0x60  }
0xae: {  	[dreg:$0x2] =	wrdreg s24  }
0xaf: {  	[dreg:$0x3] =	wrdreg s2  }
0xb0: {  	[dreg:$0x4] =	wrdreg $0x5FA00  }
0xb1: {  	[dreg:$0x5] =	wrdreg $0x9  }
0xb2: {  	_ =	task.clear_ibuf [dreg:s7], $0x6FFFF;
	_ =	strace $0x90000049  }
0xb3: {  	s29 =	simm.s32 $0x9;
	_ =	strace $0x8000004B  }
0xb4: {  	_ =	swait.ge [sflag:s29], $0x1  }
0xb5: {  	[sflag:s29] =	ssyncadd.s32 $0xFFFFFFFF  }
0xb6: {  	_ =	strace $0x9000004B  }
0xb7: {  	_ =	sfence  }
0xb8: {  	s30 =	sld [smem:$0x0];
	_ =	sdelay $0x2  }
0xb9: {  	s31 =	sshll.u32 s1, $0xD;
	s1 =	sshrl.u32 s1, $0x2  }
0xba: {  	s3 =	sand.u32 $0x4000, s31;
	s1 =	sadd.s32 s1, s30  }
0xbb: {  	s0 =	sor.u32 s3, s0;
	s1 =	sshll.u32 s1, $0x11  }
0xbc: {  	s0 =	sor.u32 s1, s0  }
0xbd: {  	s0 =	sadd.s32 $0x8F2B, s0  }
0xbe: {  	[sflag:s0] =	ssyncadd.remote.s32 $0x1  }
0xbf: {  	_ =	sfence.sel $0xFFFF  }
0xc0: {  	[dreg:$0x0] =	wrdreg $0xFFFFFFFF;
	(pc) =	sbr.abs _section_cstart, $3  }
0xc1: {  	[dreg:$0x1] =	wrdreg $0xFFFFFFFF  }
0xc2: {  	_ =	task.clear_ibuf [dreg:s7], $0x2FFFF;
	_ =	strace $0x9FFFFFFF  }
0xc3: {  	(tm) =	ssettm $0x7FFFFFFF  }
tec
execute0_lowered:
.L_overlay_start_1:
0x0: {  	(tag) =	ssettag $0x1  }
0x1: {  	s5 =	rddreg [dreg:$0x0]  }
0x2: {  	s9 =	rddreg [dreg:$0x1];
	s1 =	srdreg.scid  }
0x3: {  	s0 =	stileid.u32;
	s2 =	rddreg [dreg:$0x2]  }
0x4: {  	s3 =	simm.s32 $0x0;
	s14 =	simm.s32 $0x7D;
	s15 =	simm.s32 $0x5000  }
0x5: {  	s16 =	simm.s32 $0x57D0;
	s17 =	simm.s32 $0x1;
	s18 =	simm.s32 $0x2  }
0x6: {  	s19 =	simm.s32 $0x2780;
	s20 =	simm.s32 $0x4F00;
	s21 =	simm.s32 $0x4F80  }
0x7: {  	s22 =	simm.s32 $0x0;
	s6 =	sand.u32 $0x1, s1;
	s1 =	rddreg [dreg:$0x3]  }
0x8: {  	s4 =	sshll.u32 s0, $0x1;
	[smem:$0x7FF] =	sst s3;
	s8 =	smul.u32 $0x2780, s0  }
0x9: {  	s4 =	sor.u32 s6, s4;
	s28 =	ssub.s32 $0x2, s6;
	s6 =	smul.u32 $0x27800, s6  }
0xa: {  	s31 =	sshll.u32 s0, $0x6;
	_ =	strace $0x8000004A;
	s7 =	smul.u32 $0x500, s4  }
0xb: {  	s4 =	sadd.s32 $0x14A00, s5;
	s11 =	sshrl.u32 s8, $0x3;
	s12 =	sshrl.u32 s28, $0x1  }
0xc: {  	s30 =	sadd.s32 s8, s2;
	s29 =	ssub.s32 s28, s12;
	s8 =	sadd.s32 s8, s6  }
0xd: {  	s6 =	sor.u32 $0x1C03, s31;
	s12 =	simm.s32 $0x3;
	s10 =	sadd.s32 s7, s5  }
0xe: {  	s5 =	sadd.s32 s11, s5;
	s13 =	sshrl.u32 s8, $0x3;
	s11 =	sshrl.u32 s30, $0x3  }
0xf: {  	s5 =	sadd.s32 $0x19A00, s5;
	s7 =	sadd.s32 $0xAA00, s10;
	s8 =	sadd.s32 $0xA00, s10  }
0x10: {  	s9 =	sadd.s32 s9, s13;
	s10 =	smax.u32 s29, $0x1;
	s13 =	simm.s32 $0x2800  }
.LBB2_1:
0x11: {  	[spmem:s11], [sflag:s6] =	dma.local [hbm:s5], $0x4F0  }
0x12: {  	_ =	swait.ge [sflag:s12], $0x4F0  }
0x13: {  	[sflag:s12] =	ssyncset.done $0x0  }
0x14: {  	[sflag:s12] =	ssyncadd.s32 $0xFFFFFB10  }
0x15: {  	[tilespmem:s3], [sflag:$0x3] =	stream.linear.gather [hbm4b:s7+s3], $0x2800, $0x38;
	[tilespmem:$0x8720] =	vst v63  }
0x16: {  	_ =	swait.ge [sflag:s12], $0x2800  }
0x17: {  	[sflag:s12] =	ssyncset.done $0x0  }
0x18: {  	[sflag:s12] =	ssyncadd.s32 $0xFFFFD800  }
0x19: {  	[tilespmem:s13], [sflag:$0x3] =	stream.linear.gather [hbm4b:s8+s3], $0x2800, $0x38;
	[tilespmem:$0x8720] =	vst v63  }
0x1a: {  	_ =	swait.ge [sflag:s12], $0x2800  }
0x1b: {  	[sflag:s12] =	ssyncset.done $0x0  }
0x1c: {  	[sflag:s12] =	ssyncadd.s32 $0xFFFFD800  }
0x1d: {  	[bflag:$0x0] =	sbarrier.arrive $0xFFFF  }
0x1e: {  	[tilespmem:s15], [sflag:$0x1] =	stream.indirect.gather [hbm4b:s4+s14], $0x10, s3, s14, $0xb8;
	[tilespmem:$0x8720] =	vst v63  }
0x1f: {  	s23 =	simm.s32 $0x80  }
0x20: {  	[tilespmem:s16], [sflag:$0x2] =	stream.indirect.gather [hbm4b:s4+s14], $0x10, s23, s14, $0xb8;
	[tilespmem:$0x8720] =	vst v63  }
0x21: {  	_ =	swait.ge [sflag:s17], $0x7D0  }
0x22: {  	[sflag:s17] =	ssyncset.done $0x0  }
0x23: {  	s29 =	simm.s32 $0x2800;
	[sflag:s17] =	ssyncadd.s32 $0xFFFFF830  }
0x24: {  	[spmem:s2] =	stream.indirect.scatter.add.f32 [tilespmem:s15], [sflag:$0x3], $0x10, s29, s14, $0xb8;
	[tilespmem:$0x8720] =	vst v63  }
0x25: {  	_ =	swait.ge [sflag:s12], $0x7D0  }
0x26: {  	[sflag:s12] =	ssyncset.done $0x0  }
0x27: {  	s30 =	simm.s32 $0x100;
	[sflag:s12] =	ssyncadd.s32 $0xFFFFF830  }
0x28: {  	[tilespmem:s15], [sflag:$0x1] =	stream.indirect.gather [hbm4b:s4+s14], $0x10, s30, s14, $0xb8;
	[tilespmem:$0x8720] =	vst v63  }
0x29: {  	_ =	swait.ge [sflag:s18], $0x7D0  }
0x2a: {  	[sflag:s18] =	ssyncset.done $0x0  }
0x2b: {  	s31 =	simm.s32 $0x2880;
	[sflag:s18] =	ssyncadd.s32 $0xFFFFF830  }
0x2c: {  	[spmem:s2] =	stream.indirect.scatter.add.f32 [tilespmem:s16], [sflag:$0x3], $0x10, s31, s14, $0xb8;
	[tilespmem:$0x8720] =	vst v63  }
0x2d: {  	_ =	swait.ge [sflag:s12], $0x7D0  }
0x2e: {  	s24 =	simm.s32 $0x800;
	s23 =	simm.s32 $0x100;
	[sflag:s12] =	ssyncset.done $0x0  }
.LBB2_2:
0x2f: {  	s25 =	sadd.s32 $0x80, s23  }
0x30: {  	[sflag:s12] =	ssyncadd.s32 $0xFFFFF830;
	s26 =	smov.u32 s24;
	s28 =	sadd.s32 $0x400, s24  }
0x31: {  	[tilespmem:s16], [sflag:$0x2] =	stream.indirect.gather [hbm4b:s4+s14], $0x10, s25, s14, $0xb8;
	[tilespmem:$0x8720] =	vst v63  }
0x32: {  	p0 =	sne.s32 s24, $0x9800;
	_ =	swait.ge [sflag:s17], $0x7D0  }
0x33: {  	[sflag:s17] =	ssyncset.done $0x0  }
0x34: {  	s24 =	sadd.s32 $0x2800, s23;
	[sflag:s17] =	ssyncadd.s32 $0xFFFFF830  }
0x35: {  	[spmem:s2] =	stream.indirect.scatter.add.f32 [tilespmem:s15], [sflag:$0x3], $0x10, s24, s14, $0xb8;
	[tilespmem:$0x8720] =	vst v63  }
0x36: {  	_ =	swait.ge [sflag:s12], $0x7D0  }
0x37: {  	[sflag:s12] =	ssyncset.done $0x0  }
0x38: {  	s24 =	sadd.s32 $0x100, s23;
	[sflag:s12] =	ssyncadd.s32 $0xFFFFF830  }
0x39: {  	[tilespmem:s15], [sflag:$0x1] =	stream.indirect.gather [hbm4b:s4+s14], $0x10, s24, s14, $0xb8;
	[tilespmem:$0x8720] =	vst v63  }
0x3a: {  	_ =	swait.ge [sflag:s18], $0x7D0  }
.Ltmp0:
0x3b: {  	[sflag:s18] =	ssyncset.done $0x0;
	(pc) =	sbr.rel @p0 .LBB2_2-.Ltmp0, $4  }
0x3c: {  	s23 =	sadd.s32 $0x2880, s23;
	[sflag:s18] =	ssyncadd.s32 $0xFFFFF830  }
0x3d: {  	[spmem:s2] =	stream.indirect.scatter.add.f32 [tilespmem:s16], [sflag:$0x3], $0x10, s23, s14, $0xb8;
	[tilespmem:$0x8720] =	vst v63  }
0x3e: {  	_ =	swait.ge [sflag:s12], $0x7D0  }
0x3f: {  	s24 =	smov.u32 s28;
	s23 =	sshra.s32 s26, $0x2;
	[sflag:s12] =	ssyncset.done $0x0  }
0x40: {  	s24 =	sadd.s32 $0x80, s23;
	[sflag:s12] =	ssyncadd.s32 $0xFFFFF830  }
0x41: {  	[tilespmem:s16], [sflag:$0x2] =	stream.indirect.gather [hbm4b:s4+s14], $0x10, s24, s14, $0xb8;
	[tilespmem:$0x8720] =	vst v63  }
0x42: {  	_ =	swait.ge [sflag:s17], $0x7D0  }
0x43: {  	[sflag:s17] =	ssyncset.done $0x0  }
0x44: {  	s29 =	sadd.s32 $0x2800, s23;
	[sflag:s17] =	ssyncadd.s32 $0xFFFFF830  }
0x45: {  	[spmem:s2] =	stream.indirect.scatter.add.f32 [tilespmem:s15], [sflag:$0x3], $0x10, s29, s14, $0xb8;
	[tilespmem:$0x8720] =	vst v63  }
0x46: {  	_ =	swait.ge [sflag:s12], $0x7D0  }
0x47: {  	[sflag:s12] =	ssyncset.done $0x0  }
0x48: {  	s30 =	sadd.s32 $0x100, s23;
	[sflag:s12] =	ssyncadd.s32 $0xFFFFF830  }
0x49: {  	[tilespmem:s15], [sflag:$0x1] =	stream.indirect.gather [hbm4b:s4+s14], $0x10, s30, s14, $0xb8;
	[tilespmem:$0x8720] =	vst v63  }
0x4a: {  	_ =	swait.ge [sflag:s18], $0x7D0  }
0x4b: {  	[sflag:s18] =	ssyncset.done $0x0  }
0x4c: {  	s31 =	sadd.s32 $0x2880, s23;
	[sflag:s18] =	ssyncadd.s32 $0xFFFFF830  }
0x4d: {  	[spmem:s2] =	stream.indirect.scatter.add.f32 [tilespmem:s16], [sflag:$0x3], $0x10, s31, s14, $0xb8;
	[tilespmem:$0x8720] =	vst v63  }
0x4e: {  	_ =	swait.ge [sflag:s12], $0x7D0  }
0x4f: {  	[sflag:s12] =	ssyncset.done $0x0  }
0x50: {  	[sflag:s12] =	ssyncadd.s32 $0xFFFFF830  }
0x51: {  	[tilespmem:s16], [sflag:$0x2] =	stream.indirect.gather [hbm4b:s4+s14], $0x10, s19, s14, $0xb8;
	[tilespmem:$0x8720] =	vst v63  }
0x52: {  	_ =	swait.ge [sflag:s17], $0x7D0  }
0x53: {  	[sflag:s17] =	ssyncset.done $0x0  }
0x54: {  	[sflag:s17] =	ssyncadd.s32 $0xFFFFF830  }
0x55: {  	[spmem:s2] =	stream.indirect.scatter.add.f32 [tilespmem:s15], [sflag:$0x3], $0x10, s20, s14, $0xb8;
	[tilespmem:$0x8720] =	vst v63  }
0x56: {  	_ =	swait.ge [sflag:s12], $0x7D0  }
0x57: {  	[sflag:s12] =	ssyncset.done $0x0  }
0x58: {  	[sflag:s12] =	ssyncadd.s32 $0xFFFFF830  }
0x59: {  	_ =	swait.ge [sflag:s18], $0x7D0  }
0x5a: {  	[sflag:s18] =	ssyncset.done $0x0  }
0x5b: {  	[sflag:s18] =	ssyncadd.s32 $0xFFFFF830  }
0x5c: {  	[spmem:s2] =	stream.indirect.scatter.add.f32 [tilespmem:s16], [sflag:$0x3], $0x10, s21, s14, $0xb8;
	[tilespmem:$0x8720] =	vst v63  }
0x5d: {  	_ =	swait.ge [sflag:s12], $0x7D0  }
0x5e: {  	s22 =	sadd.s32 $0x1, s22;
	[sflag:s12] =	ssyncset.done $0x0  }
0x5f: {  	p0 =	sne.s32 s22, s10;
	[sflag:s12] =	ssyncadd.s32 $0xFFFFF830  }
.Ltmp1:
0x60: {  	[bflag:$0x0] =	sbarrier.arrive $0xFFFF;
	(pc) =	sbr.rel @p0 .LBB2_1-.Ltmp1, $4  }
0x61: {  	[hbm:s9], [sflag:s6] =	dma.local [spmem:s11], $0x4F0  }
0x62: {  	_ =	swait.ge [sflag:s12], $0x4F0  }
0x63: {  	[sflag:s12] =	ssyncset.done $0x0  }
0x64: {  	[sflag:s12] =	ssyncadd.s32 $0xFFFFFB10  }
0x65: {  	_ =	sfence.sel $0x180000  }
0x66: {  	[bflag:$0x0] =	sbarrier.arrive $0xFFFF  }
0x67: {  	p0 =	sne.s32 s0, $0x0;
	_ =	strace $0x9000004A  }
0x68: {  	s0 =	sadd.s32 @!p0 $0x100000, s1;
	[bflag:$0x2] =	sbarrier.arrive $0xFFFF  }
0x69: {  	[sflag:s0] =	ssyncadd.tile.s32 @!p0 $0x1;
	_ =	shalt  }
.Lfunc_end2:
_tile_overlayer_lowered:
.L_overlay_start_2:
0x6a: {  	(tag) =	ssettag $0x2  }
0x6b: {  	s0 =	rddreg [dreg:$0x0];
	s2 =	stileid.u32  }
0x6c: {  	s1 =	rddreg [dreg:$0x1];
	p0 =	sne.s32 s2, $0x0  }
0x6d: {  	s3 =	rddreg [dreg:$0x2];
	[bflag:$0x3] =	sbarrier.arrive $0xFFFF;
	s2 =	simm.s32 @!p0 $0x1C03  }
0x6e: {  	[timem:s3], [sflag:s2] =	dma.local @!p0 [hbm:s0], s1  }
0x6f: {  	s0 =	simm.s32 @!p0 $0x3  }
0x70: {  	_ =	swait.ge @!p0 [sflag:s0], s1  }
0x71: {  	s1 =	ssub.s32 @!p0 $0x0, s1;
	[sflag:s0] =	ssyncset.done @!p0 $0x0  }
0x72: {  	[sflag:s0] =	ssyncadd.s32 @!p0 s1  }
0x73: {  	[bflag:$0x3] =	sbarrier.arrive $0xFFFF  }
0x74: {  	_ =	shalt  }

// kernel: kernel.7.cloned.1.call-start
scs
__scs_entry_jumppad:
0x0: {  	(pc) =	sbr.rel $0x88, $3  }
0x1: {  	(tag) =	ssettag $0x0;
	lr =	simm.s32 $0x1  }
0x2: {  	[smem:$0x3F9D] =	sst lr;
	_ =	strace $0xD0000000  }
0x3: {  	_ = 	snop  }
0x4: {  	_ = 	snop  }
0x5: {  	_ = 	snop  }
0x6: {  	_ = 	snop  }
0x7: {  	_ = 	snop  }
__scs_overlays_trampoline_lowered:
0x8: {  	[smem:$0x3FAC] =	sst s0  }
0x9: {  	[smem:$0x3FAD] =	sst s1  }
0xa: {  	[smem:$0x3FAE] =	sst s2  }
0xb: {  	[smem:$0x3FAF] =	sst s3  }
0xc: {  	[smem:$0x3FB0] =	sst s4  }
0xd: {  	[smem:$0x3FB1] =	sst s5  }
0xe: {  	[smem:$0x3FB2] =	sst s6  }
0xf: {  	[smem:$0x3FB3] =	sst s7  }
0x10: {  	[smem:$0x3FB4] =	sst s8  }
0x11: {  	[smem:$0x3FB5] =	sst s9;
	s0 =	simm.s32 @!p0 $0x0  }
0x12: {  	s1 =	sld [smem:$0x3F9B];
	s0 =	simm.s32 @p0 $0x1  }
0x13: {  	[smem:$0x3FB6] =	sst s0;
	s0 =	simm.s32 @!p1 $0x0  }
0x14: {  	s2 =	sld [smem:$0x3F9A];
	s0 =	simm.s32 @p1 $0x1  }
0x15: {  	[smem:$0x3FB7] =	sst s0;
	s0 =	simm.s32 @!p2 $0x0  }
0x16: {  	s3 =	sld [smem:$0x3FDB];
	s0 =	simm.s32 @p2 $0x1  }
0x17: {  	s4 =	simm.s32 $0x1BF5;
	[smem:$0x3FB9] =	sst s0  }
0x18: {  	s0 =	sld [smem:$0x3F9C];
	_ =	swait.ge [sflag:s4], $0x0  }
0x19: {  	s7 =	sld [smem:$0x3F9D]  }
0x1a: {  	s8 =	sadd.s32 $0xFFFFE003, lr  }
0x1b: {  	s9 =	sadd.s32 $0xFFFFFEF7, lr;
	s5 =	simm.s32 $0xFFFFFFFF;
	p2 =	slt.u32 s8, $0xFFFFF086  }
0x1c: {  	p1 =	slt.u32 s9, $0xF7A;
	s5 =	simm.s32 @!p2 $0x0  }
0x1d: {  	s5 =	simm.s32 @p1 $0x1;
	p0 =	seq.s32 s7, s2  }
0x1e: {  	s7 =	smul.u32 @!p0 $0xF7A, s2;
	p2 =	seq.s32 @!p0 s5, $0x0  }
0x1f: {  	s9 =	smul.u32 $0xF7A, s1;
	s8 =	simm.s32 @!p0 $0x1BF5;
	p2 =	por !p2, p0  }
0x20: {  	[sflag:s8] =	ssyncset.s32 @!p0 $0xFFFFF086;
	s6 =	sadd.s32 @!p0 s3, s7;
	s7 =	simm.s32 @!p0 $0x108  }
0x21: {  	s3 =	sadd.s32 s3, s9;
	s6 =	sadd.s32 @!p0 $0x88, s6;
	s7 =	simm.s32 @p2 $0x1082  }
0x22: {  	[simem:s7], [sflag:s8] =	dma.local @!p0 [hbm:s6], $0xF7A  }
0x23: {  	s9 =	sor.u32 $0xD0000000, s2;
	s6 =	simm.s32 $0x108;
	_ =	swait.ge @!p0 [sflag:s8], $0x0  }
0x24: {  	s3 =	sadd.s32 $0x88, s3;
	s6 =	simm.s32 @!p1 $0x1082;
	[sflag:s4] =	ssyncset.s32 $0xFFFFF086  }
0x25: {  	[simem:s6], [sflag:s4] =	dma.local [hbm:s3], $0xF7A  }
0x26: {  	[smem:$0x3F9D] =	sst s1;
	(tag) =	ssettag s2;
	_ =	strace s9  }
0x27: {  	s1 =	sld [smem:$0x3FAD]  }
0x28: {  	s2 =	sld [smem:$0x3FAE]  }
0x29: {  	s4 =	sld [smem:$0x3FB0]  }
0x2a: {  	p0 =	seq.s32 s5, $0x0;
	s5 =	sld [smem:$0x3FB1]  }
0x2b: {  	s6 =	sld [smem:$0x3FB2]  }
0x2c: {  	s7 =	sld [smem:$0x3FB3]  }
0x2d: {  	s3 =	simm.s32 $0x108;
	s8 =	sld [smem:$0x3FB4]  }
0x2e: {  	s3 =	simm.s32 @!p0 $0x1082;
	s9 =	sld [smem:$0x3FB5]  }
0x2f: {  	lr =	sadd.s32 s0, s3;
	s0 =	sld [smem:$0x3FAC]  }
0x30: {  	s3 =	sld [smem:$0x3FAF]  }
0x31: {  	[smem:$0x3FB8] =	sst s10  }
0x32: {  	s10 =	sld [smem:$0x3FB6];
	_ =	sdelay $0x3  }
0x33: {  	p0 =	seq.s32 s10, $0x1;
	s10 =	sld [smem:$0x3FB8];
	_ =	sdelay $0x3  }
0x34: {  	[smem:$0x3FB8] =	sst s10  }
0x35: {  	s10 =	sld [smem:$0x3FB7];
	_ =	sdelay $0x3  }
0x36: {  	p1 =	seq.s32 s10, $0x1;
	s10 =	sld [smem:$0x3FB8];
	_ =	sdelay $0x3  }
0x37: {  	[smem:$0x3FB8] =	sst s10  }
0x38: {  	s10 =	sld [smem:$0x3FB9]  }
0x39: {  	_ = 	snop;
	(pc) =	sbr.ind lr, $3  }
0x3a: {  	_ = 	snop  }
0x3b: {  	_ = 	snop  }
0x3c: {  	p2 =	seq.s32 s10, $0x1;
	s10 =	sld [smem:$0x3FB8]  }
0x3d: {  	_ =	shalt  }
0x3e: {  	_ =	shalt  }
0x3f: {  	_ =	shalt  }
0x40: {  	_ =	shalt  }
0x41: {  	_ =	shalt  }
0x42: {  	_ =	shalt  }
0x43: {  	_ =	shalt  }
0x44: {  	_ =	shalt  }
0x45: {  	_ =	shalt  }
0x46: {  	_ =	shalt  }
0x47: {  	_ =	shalt  }
0x48: {  	_ =	shalt  }
0x49: {  	_ =	shalt  }
0x4a: {  	_ =	shalt  }
0x4b: {  	_ =	shalt  }
0x4c: {  	_ =	shalt  }
0x4d: {  	_ =	shalt  }
0x4e: {  	_ =	shalt  }
0x4f: {  	_ =	shalt  }
0x50: {  	_ =	shalt  }
0x51: {  	_ =	shalt  }
0x52: {  	_ =	shalt  }
0x53: {  	_ =	shalt  }
0x54: {  	_ =	shalt  }
0x55: {  	_ =	shalt  }
0x56: {  	_ =	shalt  }
0x57: {  	_ =	shalt  }
0x58: {  	_ =	shalt  }
0x59: {  	_ =	shalt  }
0x5a: {  	_ =	shalt  }
0x5b: {  	_ =	shalt  }
0x5c: {  	_ =	shalt  }
0x5d: {  	_ =	shalt  }
0x5e: {  	_ =	shalt  }
0x5f: {  	_ =	shalt  }
0x60: {  	_ =	shalt  }
0x61: {  	_ =	shalt  }
0x62: {  	_ =	shalt  }
0x63: {  	_ =	shalt  }
0x64: {  	_ =	shalt  }
0x65: {  	_ =	shalt  }
0x66: {  	_ =	shalt  }
0x67: {  	_ =	shalt  }
0x68: {  	_ =	shalt  }
0x69: {  	_ =	shalt  }
0x6a: {  	_ =	shalt  }
0x6b: {  	_ =	shalt  }
0x6c: {  	_ =	shalt  }
0x6d: {  	_ =	shalt  }
0x6e: {  	_ =	shalt  }
0x6f: {  	_ =	shalt  }
0x70: {  	_ =	shalt  }
0x71: {  	_ =	shalt  }
0x72: {  	_ =	shalt  }
0x73: {  	_ =	shalt  }
0x74: {  	_ =	shalt  }
0x75: {  	_ =	shalt  }
0x76: {  	_ =	shalt  }
0x77: {  	_ =	shalt  }
0x78: {  	_ =	shalt  }
0x79: {  	_ =	shalt  }
0x7a: {  	_ =	shalt  }
0x7b: {  	_ =	shalt  }
0x7c: {  	_ =	shalt  }
0x7d: {  	_ =	shalt  }
0x7e: {  	_ =	shalt  }
0x7f: {  	_ =	shalt  }
0x80: {  	_ =	shalt  }
0x81: {  	_ =	shalt  }
0x82: {  	_ =	shalt  }
0x83: {  	_ =	shalt  }
0x84: {  	_ =	shalt  }
0x85: {  	_ =	shalt  }
0x86: {  	_ =	shalt  }
0x87: {  	_ =	shalt  }
.Lfunc_end0:
.L_simem_size_0:
called_computation_lowered:
.L_overlay_start_0:
0x88: {  	s2 =	sld [smem:$0x3FD9]  }
0x89: {  	s3 =	sld [smem:$0x3FFE];
	_ =	sdelay $0x1  }
0x8a: {  	s1 =	srdreg.scid  }
0x8b: {  	s0 =	sand.u32 $0x1, s1  }
0x8c: {  	s17 =	sshll.u32 s0, $0xA;
	s2 =	sadd.s32 s3, s2  }
0x8d: {  	s2 =	sadd.s32 s2, s17  }
0x8e: {  	[smem:$0x3FC4] =	sst s2  }
0x8f: {  	_ = 	snop  }
0x90: {  	s2 =	sld [smem:$0x3FD0];
	(tm) =	ssettm $0x1  }
0x91: {  	s18 =	sld [smem:$0x3FFB];
	_ =	sdelay $0x3  }
0x92: {  	_ =	strace s18  }
0x93: {  	s3 =	sld [smem:$0x3FFC];
	_ =	sdelay $0x3  }
0x94: {  	_ =	strace s3  }
0x95: {  	s3 =	sld [smem:$0x3FFD];
	_ =	sdelay $0x3  }
0x96: {  	_ =	strace s3  }
0x97: {  	_ =	strace $0x8FFFFFFF  }
0x98: {  	s19 =	sld [smem:$0x3FDB];
	_ =	sdelay $0x1  }
0x99: {  	s4 =	simm.s32 $_scs_section_size  }
0x9a: {  	s5 =	simm.s32 $_size__tile_overlayer_lowered;
	s6 =	simm.s32 $_tile_overlayer_lowered  }
0x9b: {  	s22 =	simm.s32 $0x1BFF;
	s21 =	sshll.u32 s6, $0x1;
	s3 =	sadd.s32 s4, s19  }
0x9c: {  	s7 =	simm.s32 $0x0;
	s20 =	sshll.u32 s5, $0x1;
	s5 =	sadd.s32 s21, s3  }
0x9d: {  	[timem:s7], [sflag:s22] =	dma.local [hbm:s5], s20  }
0x9e: {  	_ =	swait.ge [sflag:s22], s20  }
0x9f: {  	s4 =	ssub.s32 $0x0, s20;
	[sflag:s22] =	ssyncset.done $0x0  }
0xa0: {  	[sflag:s22] =	ssyncadd.s32 s4;
	_ =	sdelay $0x1  }
0xa1: {  	s23 =	simm.s32 $0x1B8B  }
0xa2: {  	_ =	swait.ge [sflag:s23], $0x1  }
0xa3: {  	[sflag:s23] =	ssyncset.done $0x0  }
0xa4: {  	s25 =	simm.s32 $0x1B8E;
	s24 =	sld [smem:$0x3FFE];
	[sflag:s23] =	ssyncadd.s32 $0xFFFFFFFF  }
0xa5: {  	s26 =	simm.s32 $execute0_lowered;
	[smem:$0x3FD2] =	sst s25  }
0xa6: {  	s5 =	sshll.u32 s26, $0x1;
	_ =	strace $0x80000046;
	[dreg:$0x1] =	wrdreg $0xFFFFFFFF  }
0xa7: {  	s28 =	simm.s32 $_size_execute0_lowered;
	s3 =	sadd.s32 s3, s5;
	[dreg:$0x0] =	wrdreg $0x0  }
0xa8: {  	s5 =	sshll.u32 s28, $0x1;
	[dreg:$0x2] =	wrdreg s3  }
0xa9: {  	[dreg:$0x3] =	wrdreg s5  }
0xaa: {  	[dreg:$0x4] =	wrdreg $0xC0  }
0xab: {  	_ =	task [dreg:s7], $0x5FFFF  }
0xac: {  	[dreg:$0x1] =	wrdreg $0xFFFFFFFF  }
0xad: {  	[dreg:$0x0] =	wrdreg $0x60  }
0xae: {  	[dreg:$0x2] =	wrdreg s24  }
0xaf: {  	[dreg:$0x3] =	wrdreg s2  }
0xb0: {  	[dreg:$0x4] =	wrdreg $0x6F400  }
0xb1: {  	[dreg:$0x5] =	wrdreg $0x9  }
0xb2: {  	_ =	task.clear_ibuf [dreg:s7], $0x6FFFF;
	_ =	strace $0x90000046  }
0xb3: {  	s29 =	simm.s32 $0x9;
	_ =	strace $0x80000048  }
0xb4: {  	_ =	swait.ge [sflag:s29], $0x1  }
0xb5: {  	[sflag:s29] =	ssyncadd.s32 $0xFFFFFFFF  }
0xb6: {  	_ =	strace $0x90000048  }
0xb7: {  	_ =	sfence  }
0xb8: {  	s30 =	sld [smem:$0x0];
	_ =	sdelay $0x2  }
0xb9: {  	s31 =	sshll.u32 s1, $0xD;
	s1 =	sshrl.u32 s1, $0x2  }
0xba: {  	s3 =	sand.u32 $0x4000, s31;
	s1 =	sadd.s32 s1, s30  }
0xbb: {  	s0 =	sor.u32 s3, s0;
	s1 =	sshll.u32 s1, $0x11  }
0xbc: {  	s0 =	sor.u32 s1, s0  }
0xbd: {  	s0 =	sadd.s32 $0x8F2B, s0  }
0xbe: {  	[sflag:s0] =	ssyncadd.remote.s32 $0x1  }
0xbf: {  	_ =	sfence.sel $0xFFFF  }
0xc0: {  	[dreg:$0x0] =	wrdreg $0xFFFFFFFF;
	(pc) =	sbr.abs _section_cstart, $3  }
0xc1: {  	[dreg:$0x1] =	wrdreg $0xFFFFFFFF  }
0xc2: {  	_ =	task.clear_ibuf [dreg:s7], $0x2FFFF;
	_ =	strace $0x9FFFFFFF  }
0xc3: {  	(tm) =	ssettm $0x7FFFFFFF  }
tec
execute0_lowered:
.L_overlay_start_1:
0x0: {  	(tag) =	ssettag $0x1  }
0x1: {  	s5 =	rddreg [dreg:$0x0]  }
0x2: {  	s9 =	rddreg [dreg:$0x1];
	s1 =	srdreg.scid  }
0x3: {  	s0 =	stileid.u32;
	s2 =	rddreg [dreg:$0x2]  }
0x4: {  	s3 =	simm.s32 $0x0;
	s14 =	simm.s32 $0x7D;
	s15 =	simm.s32 $0x5000  }
0x5: {  	s16 =	simm.s32 $0x5FA0;
	s17 =	simm.s32 $0x1;
	s18 =	simm.s32 $0x2  }
0x6: {  	s19 =	simm.s32 $0x2780;
	s20 =	simm.s32 $0x4F00;
	s21 =	simm.s32 $0x4F80  }
0x7: {  	s22 =	simm.s32 $0x0;
	s6 =	sand.u32 $0x1, s1;
	s1 =	rddreg [dreg:$0x3]  }
0x8: {  	s4 =	sshll.u32 s0, $0x1;
	[smem:$0x7FF] =	sst s3;
	s8 =	smul.u32 $0x4F00, s0  }
0x9: {  	s4 =	sor.u32 s6, s4;
	s28 =	ssub.s32 $0x2, s6;
	s6 =	smul.u32 $0x4F000, s6  }
0xa: {  	s31 =	sshll.u32 s0, $0x6;
	_ =	strace $0x80000047;
	s7 =	smul.u32 $0x500, s4  }
0xb: {  	s4 =	sadd.s32 $0x14A00, s5;
	s11 =	sshrl.u32 s8, $0x3;
	s12 =	sshrl.u32 s28, $0x1  }
0xc: {  	s30 =	sadd.s32 s8, s2;
	s29 =	ssub.s32 s28, s12;
	s8 =	sadd.s32 s8, s6  }
0xd: {  	s6 =	sor.u32 $0x1C03, s31;
	s12 =	simm.s32 $0x3;
	s10 =	sadd.s32 s7, s5  }
0xe: {  	s5 =	sadd.s32 s11, s5;
	s13 =	sshrl.u32 s8, $0x3;
	s11 =	sshrl.u32 s30, $0x3  }
0xf: {  	s5 =	sadd.s32 $0x1E800, s5;
	s7 =	sadd.s32 $0xAA00, s10;
	s8 =	sadd.s32 $0xA00, s10  }
0x10: {  	s9 =	sadd.s32 s9, s13;
	s10 =	smax.u32 s29, $0x1;
	s13 =	simm.s32 $0x2800  }
.LBB2_1:
0x11: {  	[spmem:s11], [sflag:s6] =	dma.local [hbm:s5], $0x9E0  }
0x12: {  	_ =	swait.ge [sflag:s12], $0x9E0  }
0x13: {  	[sflag:s12] =	ssyncset.done $0x0  }
0x14: {  	[sflag:s12] =	ssyncadd.s32 $0xFFFFF620  }
0x15: {  	[tilespmem:s3], [sflag:$0x3] =	stream.linear.gather [hbm4b:s7+s3], $0x2800, $0x38;
	[tilespmem:$0xBE40] =	vst v63  }
0x16: {  	_ =	swait.ge [sflag:s12], $0x2800  }
0x17: {  	[sflag:s12] =	ssyncset.done $0x0  }
0x18: {  	[sflag:s12] =	ssyncadd.s32 $0xFFFFD800  }
0x19: {  	[tilespmem:s13], [sflag:$0x3] =	stream.linear.gather [hbm4b:s8+s3], $0x2800, $0x38;
	[tilespmem:$0xBE40] =	vst v63  }
0x1a: {  	_ =	swait.ge [sflag:s12], $0x2800  }
0x1b: {  	[sflag:s12] =	ssyncset.done $0x0  }
0x1c: {  	[sflag:s12] =	ssyncadd.s32 $0xFFFFD800  }
0x1d: {  	[bflag:$0x0] =	sbarrier.arrive $0xFFFF  }
0x1e: {  	[tilespmem:s15], [sflag:$0x1] =	stream.indirect.gather [hbm4b:s4+s14], $0x20, s3, s14, $0xb8;
	[tilespmem:$0xBE40] =	vst v63  }
0x1f: {  	s23 =	simm.s32 $0x80  }
0x20: {  	[tilespmem:s16], [sflag:$0x2] =	stream.indirect.gather [hbm4b:s4+s14], $0x20, s23, s14, $0xb8;
	[tilespmem:$0xBE40] =	vst v63  }
0x21: {  	_ =	swait.ge [sflag:s17], $0xFA0  }
0x22: {  	[sflag:s17] =	ssyncset.done $0x0  }
0x23: {  	s29 =	simm.s32 $0x2800;
	[sflag:s17] =	ssyncadd.s32 $0xFFFFF060  }
0x24: {  	[spmem:s2] =	stream.indirect.scatter.add.f32 [tilespmem:s15], [sflag:$0x3], $0x20, s29, s14, $0xb8;
	[tilespmem:$0xBE40] =	vst v63  }
0x25: {  	_ =	swait.ge [sflag:s12], $0xFA0  }
0x26: {  	[sflag:s12] =	ssyncset.done $0x0  }
0x27: {  	s30 =	simm.s32 $0x100;
	[sflag:s12] =	ssyncadd.s32 $0xFFFFF060  }
0x28: {  	[tilespmem:s15], [sflag:$0x1] =	stream.indirect.gather [hbm4b:s4+s14], $0x20, s30, s14, $0xb8;
	[tilespmem:$0xBE40] =	vst v63  }
0x29: {  	_ =	swait.ge [sflag:s18], $0xFA0  }
0x2a: {  	[sflag:s18] =	ssyncset.done $0x0  }
0x2b: {  	s31 =	simm.s32 $0x2880;
	[sflag:s18] =	ssyncadd.s32 $0xFFFFF060  }
0x2c: {  	[spmem:s2] =	stream.indirect.scatter.add.f32 [tilespmem:s16], [sflag:$0x3], $0x20, s31, s14, $0xb8;
	[tilespmem:$0xBE40] =	vst v63  }
0x2d: {  	_ =	swait.ge [sflag:s12], $0xFA0  }
0x2e: {  	s24 =	simm.s32 $0x800;
	s23 =	simm.s32 $0x100;
	[sflag:s12] =	ssyncset.done $0x0  }
.LBB2_2:
0x2f: {  	s25 =	sadd.s32 $0x80, s23  }
0x30: {  	[sflag:s12] =	ssyncadd.s32 $0xFFFFF060;
	s26 =	smov.u32 s24;
	s28 =	sadd.s32 $0x400, s24  }
0x31: {  	[tilespmem:s16], [sflag:$0x2] =	stream.indirect.gather [hbm4b:s4+s14], $0x20, s25, s14, $0xb8;
	[tilespmem:$0xBE40] =	vst v63  }
0x32: {  	p0 =	sne.s32 s24, $0x9800;
	_ =	swait.ge [sflag:s17], $0xFA0  }
0x33: {  	[sflag:s17] =	ssyncset.done $0x0  }
0x34: {  	s24 =	sadd.s32 $0x2800, s23;
	[sflag:s17] =	ssyncadd.s32 $0xFFFFF060  }
0x35: {  	[spmem:s2] =	stream.indirect.scatter.add.f32 [tilespmem:s15], [sflag:$0x3], $0x20, s24, s14, $0xb8;
	[tilespmem:$0xBE40] =	vst v63  }
0x36: {  	_ =	swait.ge [sflag:s12], $0xFA0  }
0x37: {  	[sflag:s12] =	ssyncset.done $0x0  }
0x38: {  	s24 =	sadd.s32 $0x100, s23;
	[sflag:s12] =	ssyncadd.s32 $0xFFFFF060  }
0x39: {  	[tilespmem:s15], [sflag:$0x1] =	stream.indirect.gather [hbm4b:s4+s14], $0x20, s24, s14, $0xb8;
	[tilespmem:$0xBE40] =	vst v63  }
0x3a: {  	_ =	swait.ge [sflag:s18], $0xFA0  }
.Ltmp0:
0x3b: {  	[sflag:s18] =	ssyncset.done $0x0;
	(pc) =	sbr.rel @p0 .LBB2_2-.Ltmp0, $4  }
0x3c: {  	s23 =	sadd.s32 $0x2880, s23;
	[sflag:s18] =	ssyncadd.s32 $0xFFFFF060  }
0x3d: {  	[spmem:s2] =	stream.indirect.scatter.add.f32 [tilespmem:s16], [sflag:$0x3], $0x20, s23, s14, $0xb8;
	[tilespmem:$0xBE40] =	vst v63  }
0x3e: {  	_ =	swait.ge [sflag:s12], $0xFA0  }
0x3f: {  	s24 =	smov.u32 s28;
	s23 =	sshra.s32 s26, $0x2;
	[sflag:s12] =	ssyncset.done $0x0  }
0x40: {  	s24 =	sadd.s32 $0x80, s23;
	[sflag:s12] =	ssyncadd.s32 $0xFFFFF060  }
0x41: {  	[tilespmem:s16], [sflag:$0x2] =	stream.indirect.gather [hbm4b:s4+s14], $0x20, s24, s14, $0xb8;
	[tilespmem:$0xBE40] =	vst v63  }
0x42: {  	_ =	swait.ge [sflag:s17], $0xFA0  }
0x43: {  	[sflag:s17] =	ssyncset.done $0x0  }
0x44: {  	s29 =	sadd.s32 $0x2800, s23;
	[sflag:s17] =	ssyncadd.s32 $0xFFFFF060  }
0x45: {  	[spmem:s2] =	stream.indirect.scatter.add.f32 [tilespmem:s15], [sflag:$0x3], $0x20, s29, s14, $0xb8;
	[tilespmem:$0xBE40] =	vst v63  }
0x46: {  	_ =	swait.ge [sflag:s12], $0xFA0  }
0x47: {  	[sflag:s12] =	ssyncset.done $0x0  }
0x48: {  	s30 =	sadd.s32 $0x100, s23;
	[sflag:s12] =	ssyncadd.s32 $0xFFFFF060  }
0x49: {  	[tilespmem:s15], [sflag:$0x1] =	stream.indirect.gather [hbm4b:s4+s14], $0x20, s30, s14, $0xb8;
	[tilespmem:$0xBE40] =	vst v63  }
0x4a: {  	_ =	swait.ge [sflag:s18], $0xFA0  }
0x4b: {  	[sflag:s18] =	ssyncset.done $0x0  }
0x4c: {  	s31 =	sadd.s32 $0x2880, s23;
	[sflag:s18] =	ssyncadd.s32 $0xFFFFF060  }
0x4d: {  	[spmem:s2] =	stream.indirect.scatter.add.f32 [tilespmem:s16], [sflag:$0x3], $0x20, s31, s14, $0xb8;
	[tilespmem:$0xBE40] =	vst v63  }
0x4e: {  	_ =	swait.ge [sflag:s12], $0xFA0  }
0x4f: {  	[sflag:s12] =	ssyncset.done $0x0  }
0x50: {  	[sflag:s12] =	ssyncadd.s32 $0xFFFFF060  }
0x51: {  	[tilespmem:s16], [sflag:$0x2] =	stream.indirect.gather [hbm4b:s4+s14], $0x20, s19, s14, $0xb8;
	[tilespmem:$0xBE40] =	vst v63  }
0x52: {  	_ =	swait.ge [sflag:s17], $0xFA0  }
0x53: {  	[sflag:s17] =	ssyncset.done $0x0  }
0x54: {  	[sflag:s17] =	ssyncadd.s32 $0xFFFFF060  }
0x55: {  	[spmem:s2] =	stream.indirect.scatter.add.f32 [tilespmem:s15], [sflag:$0x3], $0x20, s20, s14, $0xb8;
	[tilespmem:$0xBE40] =	vst v63  }
0x56: {  	_ =	swait.ge [sflag:s12], $0xFA0  }
0x57: {  	[sflag:s12] =	ssyncset.done $0x0  }
0x58: {  	[sflag:s12] =	ssyncadd.s32 $0xFFFFF060  }
0x59: {  	_ =	swait.ge [sflag:s18], $0xFA0  }
0x5a: {  	[sflag:s18] =	ssyncset.done $0x0  }
0x5b: {  	[sflag:s18] =	ssyncadd.s32 $0xFFFFF060  }
0x5c: {  	[spmem:s2] =	stream.indirect.scatter.add.f32 [tilespmem:s16], [sflag:$0x3], $0x20, s21, s14, $0xb8;
	[tilespmem:$0xBE40] =	vst v63  }
0x5d: {  	_ =	swait.ge [sflag:s12], $0xFA0  }
0x5e: {  	s22 =	sadd.s32 $0x1, s22;
	[sflag:s12] =	ssyncset.done $0x0  }
0x5f: {  	p0 =	sne.s32 s22, s10;
	[sflag:s12] =	ssyncadd.s32 $0xFFFFF060  }
.Ltmp1:
0x60: {  	[bflag:$0x0] =	sbarrier.arrive $0xFFFF;
	(pc) =	sbr.rel @p0 .LBB2_1-.Ltmp1, $4  }
0x61: {  	[hbm:s9], [sflag:s6] =	dma.local [spmem:s11], $0x9E0  }
0x62: {  	_ =	swait.ge [sflag:s12], $0x9E0  }
0x63: {  	[sflag:s12] =	ssyncset.done $0x0  }
0x64: {  	[sflag:s12] =	ssyncadd.s32 $0xFFFFF620  }
0x65: {  	_ =	sfence.sel $0x180000  }
0x66: {  	[bflag:$0x0] =	sbarrier.arrive $0xFFFF  }
0x67: {  	p0 =	sne.s32 s0, $0x0;
	_ =	strace $0x90000047  }
0x68: {  	s0 =	sadd.s32 @!p0 $0x100000, s1;
	[bflag:$0x2] =	sbarrier.arrive $0xFFFF  }
0x69: {  	[sflag:s0] =	ssyncadd.tile.s32 @!p0 $0x1;
	_ =	shalt  }
.Lfunc_end2:
_tile_overlayer_lowered:
.L_overlay_start_2:
0x6a: {  	(tag) =	ssettag $0x2  }
0x6b: {  	s0 =	rddreg [dreg:$0x0];
	s2 =	stileid.u32  }
0x6c: {  	s1 =	rddreg [dreg:$0x1];
	p0 =	sne.s32 s2, $0x0  }
0x6d: {  	s3 =	rddreg [dreg:$0x2];
	[bflag:$0x3] =	sbarrier.arrive $0xFFFF;
	s2 =	simm.s32 @!p0 $0x1C03  }
0x6e: {  	[timem:s3], [sflag:s2] =	dma.local @!p0 [hbm:s0], s1  }
0x6f: {  	s0 =	simm.s32 @!p0 $0x3  }
0x70: {  	_ =	swait.ge @!p0 [sflag:s0], s1  }
0x71: {  	s1 =	ssub.s32 @!p0 $0x0, s1;
	[sflag:s0] =	ssyncset.done @!p0 $0x0  }
0x72: {  	[sflag:s0] =	ssyncadd.s32 @!p0 s1  }
0x73: {  	[bflag:$0x3] =	sbarrier.arrive $0xFFFF  }
0x74: {  	_ =	shalt  }

</sc_bundles>
